<compile_context>
chip_gen: v7x
topology: tpu7x:2x2x1
jax: 0.10.2.dev20260603
libtpu: 0.0.44.dev20260713+nightly
codegen_flags: <defaults>
</compile_context>

<pallas_src>
import functools

import jax
import jax.numpy as jnp
from jax import lax
from jax.experimental import pallas as pl
from jax.experimental.pallas import tpu as pltpu
from jax.experimental.pallas import tpu_sc as plsc

_N = 10000
_E = 640000
_B = 128
_RB = 1000
_GRID = _N // _RB
_CH = 128
_NCHUNK_PAD = 5120
_CPT = _NCHUNK_PAD // 16
_NACC = 10112
_ZPT = _NACC // 16

_NEG_INF = float("-inf")


def _ka(x_ref, wt_ref, b_ref, t_ref, h_ref, m_ref):
    i = pl.program_id(0)
    h = jnp.dot(x_ref[...], wt_ref[...], preferred_element_type=jnp.float32)
    h = jnp.maximum(h + b_ref[...], 0.0) + 1e-7
    h_ref[...] = h
    cm = jnp.max(h * t_ref[0, 0], axis=0, keepdims=True)
    cmb = jnp.broadcast_to(cm, (8, 128))

    @pl.when(i == 0)
    def _():
        m_ref[...] = cmb

    @pl.when(i != 0)
    def _():
        m_ref[...] = jnp.maximum(m_ref[...], cmb)


def _kb(h_ref, m_ref, t_ref, x_ref, wdt_ref, bd_ref, p_ref, q_ref, xd_ref):
    m = jnp.max(m_ref[...], axis=0, keepdims=True)
    h = h_ref[...]
    p = jnp.exp(h * t_ref[0, 0] - m)
    p_ref[...] = p
    q_ref[...] = p * h
    xd = jnp.dot(x_ref[...], wdt_ref[...], preferred_element_type=jnp.float32)
    xd_ref[...] = xd + bd_ref[...]


def _sc_body(p_hbm, q_hbm, src_hbm, dst_hbm, zeros_hbm, out_hbm,
             rowidx, sidx, didx, rows, acc_sh, sem):
    c = lax.axis_index("c")
    s = lax.axis_index("s")
    base = s * _CPT
    iota = lax.iota(jnp.int32, 16)
    for g in range(3):
        for j in range(8):
            rowidx[g, pl.ds(j * 16, 16)] = jnp.minimum(
                iota + (base + g * 128 + j * 16), _NCHUNK_PAD - 1)
    pltpu.sync_copy(zeros_hbm, acc_sh.at[pl.ds(s * _ZPT, _ZPT)])
    plsc.subcore_barrier()

    def run(tab_hbm):
        for g in range(3):
            n = min(128, _CPT - g * 128)
            pltpu.async_copy(src_hbm.at[rowidx.at[g]], sidx, sem).wait()
            pltpu.async_copy(dst_hbm.at[rowidx.at[g]], didx, sem).wait()

            def body(j, carry):
                pltpu.async_copy(tab_hbm.at[sidx.at[j]], rows, sem).wait()
                pltpu.sync_copy(rows, acc_sh.at[didx.at[j]], add=True)
                return carry

            lax.fori_loop(0, n, body, 0)

    @pl.when(c == 0)
    def _():
        run(p_hbm)

    @pl.when(c == 1)
    def _():
        run(q_hbm)

    plsc.subcore_barrier()
    pltpu.sync_copy(acc_sh.at[pl.ds(s * _ZPT, _ZPT)],
                    out_hbm.at[pl.ds(c * _NACC + s * _ZPT, _ZPT)])


_sc_aggregate = functools.partial(
    pl.kernel,
    out_type=jax.ShapeDtypeStruct((2 * _NACC, 128), jnp.float32),
    mesh=plsc.VectorSubcoreMesh(core_axis_name="c", subcore_axis_name="s"),
    scratch_types=[
        pltpu.VMEM((3, 128), jnp.int32),
        pltpu.VMEM((_CH, _CH), jnp.int32),
        pltpu.VMEM((_CH, _CH), jnp.int32),
        pltpu.VMEM((_CH, 128), jnp.float32),
        pltpu.VMEM_SHARED((_NACC, 128), jnp.float32),
        pltpu.SemaphoreType.DMA,
    ],
)(_sc_body)


def _kc(dn_ref, nm_ref, xd_ref, w1_ref, b1_ref, g_ref, be_ref,
        w2_ref, b2_ref, sc_ref, sh_ref, bs_ref, bv_ref, pool_ref):
    i = pl.program_id(0)
    out = nm_ref[...] / (dn_ref[...] + 1e-16) + xd_ref[...]
    hm = jnp.dot(out, w1_ref[...], preferred_element_type=jnp.float32)
    hm = hm + b1_ref[...]
    mu = jnp.mean(hm, axis=-1, keepdims=True)
    var = jnp.mean((hm - mu) ** 2, axis=-1, keepdims=True)
    hm = (hm - mu) * lax.rsqrt(var + 1e-5) * g_ref[...] + be_ref[...]
    hm = jnp.maximum(hm, 0.0)
    xg = jnp.dot(hm, w2_ref[...], preferred_element_type=jnp.float32)
    xg = (xg + b2_ref[...]) * sc_ref[...] + sh_ref[...]

    @pl.when(i == 0)
    def _():
        pool_ref[...] = jnp.full((_B, 128), _NEG_INF, jnp.float32)

    bv = bv_ref[0]
    lo = bs_ref[i, 0]
    hi = bs_ref[i, _RB - 1]

    def body(g, carry):
        masked = jnp.where(bv == g, xg, _NEG_INF)
        cm = jnp.max(masked, axis=0, keepdims=True)
        row = pool_ref[pl.ds(g, 1), :]
        pool_ref[pl.ds(g, 1), :] = jnp.maximum(row, cm)
        return carry

    lax.fori_loop(lo, hi + 1, body, 0)


def _kd(pool_ref, prot_ref, f1w_ref, f1b_ref, b3s_ref, b3h_ref,
        f2w_ref, f2b_ref, f3w_ref, f3b_ref, cxw_ref, cxb_ref,
        f11w_ref, f11b_ref, f12w_ref, f12b_ref, ow_ref, ob_ref, o_ref):
    pooled = pool_ref[...]
    pooled = jnp.where(jnp.isfinite(pooled), pooled, 0.0)
    z = jnp.dot(pooled, f1w_ref[...], preferred_element_type=jnp.float32)
    z = jnp.maximum(z + f1b_ref[...], 0.0)
    z = z * b3s_ref[...] + b3h_ref[...]
    z = jnp.dot(z, f2w_ref[...], preferred_element_type=jnp.float32)
    z = jnp.maximum(z + f2b_ref[...], 0.0)
    drugs = jnp.dot(z, f3w_ref[...], preferred_element_type=jnp.float32)
    drugs = drugs + f3b_ref[...]
    conv = jnp.dot(prot_ref[...], cxw_ref[...],
                   preferred_element_type=jnp.float32)
    conv = jnp.maximum(conv + cxb_ref[...], 0.0)
    xc = jnp.concatenate([drugs, conv], axis=1)
    xc = jnp.dot(xc, f11w_ref[...], preferred_element_type=jnp.float32)
    xc = xc + f11b_ref[...]
    xc = jnp.maximum(
        jnp.dot(xc, f12w_ref[...], preferred_element_type=jnp.float32)
        + f12b_ref[...], 0.0)
    o_ref[...] = jnp.dot(xc, ow_ref[...],
                         preferred_element_type=jnp.float32) + ob_ref[...]


def kernel(proteins, edge_index, edge_attr, x, batch, params):
    p = params
    f32 = jnp.float32

    wsrc_t = p['W_src'].T
    b_src = p['b_src'][None, :]
    wdst_t = p['W_dst'].T
    b_dst = p['b_dst'][None, :]
    t = jnp.reshape(p['t'], (1, 1))
    w1_t = p['mlp_W1'].T
    b1 = p['mlp_b1'][None, :]
    ln_g = p['ln_g'][None, :]
    ln_b = p['ln_b'][None, :]
    w2_t = p['mlp_W2'].T
    b2 = p['mlp_b2'][None, :]
    bn1_s = (p['bn1_g'] / jnp.sqrt(p['bn1_v'] + 1e-5))[None, :]
    bn1_h = (p['bn1_b'] - p['bn1_m'] * bn1_s[0])[None, :]
    bn3_s = (p['bn3_g'] / jnp.sqrt(p['bn3_v'] + 1e-5))[None, :]
    bn3_h = (p['bn3_b'] - p['bn3_m'] * bn3_s[0])[None, :]

    h, m8 = pl.pallas_call(
        _ka,
        grid=(_GRID,),
        in_specs=[
            pl.BlockSpec((_RB, 32), lambda i: (i, 0)),
            pl.BlockSpec((32, 128), lambda i: (0, 0)),
            pl.BlockSpec((1, 128), lambda i: (0, 0)),
            pl.BlockSpec((1, 1), lambda i: (0, 0)),
        ],
        out_specs=[
            pl.BlockSpec((_RB, 128), lambda i: (i, 0)),
            pl.BlockSpec((8, 128), lambda i: (0, 0)),
        ],
        out_shape=[
            jax.ShapeDtypeStruct((_N, 128), f32),
            jax.ShapeDtypeStruct((8, 128), f32),
        ],
    )(x, wsrc_t, b_src, t)

    pt, qt, xd = pl.pallas_call(
        _kb,
        grid=(_GRID,),
        in_specs=[
            pl.BlockSpec((_RB, 128), lambda i: (i, 0)),
            pl.BlockSpec((8, 128), lambda i: (0, 0)),
            pl.BlockSpec((1, 1), lambda i: (0, 0)),
            pl.BlockSpec((_RB, 32), lambda i: (i, 0)),
            pl.BlockSpec((32, 128), lambda i: (0, 0)),
            pl.BlockSpec((1, 128), lambda i: (0, 0)),
        ],
        out_specs=[
            pl.BlockSpec((_RB, 128), lambda i: (i, 0)),
            pl.BlockSpec((_RB, 128), lambda i: (i, 0)),
            pl.BlockSpec((_RB, 128), lambda i: (i, 0)),
        ],
        out_shape=[
            jax.ShapeDtypeStruct((_N, 128), f32),
            jax.ShapeDtypeStruct((_N, 128), f32),
            jax.ShapeDtypeStruct((_N, 128), f32),
        ],
    )(h, m8, t, x, wdst_t, b_dst)

    e_pad = _NCHUNK_PAD * _CH
    src = jnp.concatenate(
        [edge_index[0], jnp.zeros((e_pad - _E,), jnp.int32)]
    ).reshape(_NCHUNK_PAD, _CH)
    dst = jnp.concatenate(
        [edge_index[1], jnp.full((e_pad - _E,), _N, jnp.int32)]
    ).reshape(_NCHUNK_PAD, _CH)
    zeros = jnp.zeros((_ZPT, 128), f32)

    acc = _sc_aggregate(pt, qt, src, dst, zeros)
    den = acc[:_N]
    num = acc[_NACC:_NACC + _N]

    batch2 = batch.reshape(_GRID, _RB)
    batch3 = batch.reshape(_GRID, _RB, 1)
    pooled = pl.pallas_call(
        _kc,
        grid=(_GRID,),
        in_specs=[
            pl.BlockSpec((_RB, 128), lambda i: (i, 0)),
            pl.BlockSpec((_RB, 128), lambda i: (i, 0)),
            pl.BlockSpec((_RB, 128), lambda i: (i, 0)),
            pl.BlockSpec((128, 256), lambda i: (0, 0)),
            pl.BlockSpec((1, 256), lambda i: (0, 0)),
            pl.BlockSpec((1, 256), lambda i: (0, 0)),
            pl.BlockSpec((1, 256), lambda i: (0, 0)),
            pl.BlockSpec((256, 128), lambda i: (0, 0)),
            pl.BlockSpec((1, 128), lambda i: (0, 0)),
            pl.BlockSpec((1, 128), lambda i: (0, 0)),
            pl.BlockSpec((1, 128), lambda i: (0, 0)),
            pl.BlockSpec(memory_space=pltpu.SMEM),
            pl.BlockSpec((1, _RB, 1), lambda i: (i, 0, 0)),
        ],
        out_specs=pl.BlockSpec((_B, 128), lambda i: (0, 0)),
        out_shape=jax.ShapeDtypeStruct((_B, 128), f32),
    )(den, num, xd, w1_t, b1, ln_g, ln_b, w2_t, b2, bn1_s, bn1_h,
      batch2, batch3)

    out = pl.pallas_call(
        _kd,
        in_specs=[
            pl.BlockSpec((_B, 128), lambda: (0, 0)),
            pl.BlockSpec((_B, 32), lambda: (0, 0)),
            pl.BlockSpec((128, 64), lambda: (0, 0)),
            pl.BlockSpec((1, 64), lambda: (0, 0)),
            pl.BlockSpec((1, 64), lambda: (0, 0)),
            pl.BlockSpec((1, 64), lambda: (0, 0)),
            pl.BlockSpec((64, 32), lambda: (0, 0)),
            pl.BlockSpec((1, 32), lambda: (0, 0)),
            pl.BlockSpec((32, 1), lambda: (0, 0)),
            pl.BlockSpec((1, 1), lambda: (0, 0)),
            pl.BlockSpec((32, 63), lambda: (0, 0)),
            pl.BlockSpec((1, 63), lambda: (0, 0)),
            pl.BlockSpec((64, 128), lambda: (0, 0)),
            pl.BlockSpec((1, 128), lambda: (0, 0)),
            pl.BlockSpec((128, 32), lambda: (0, 0)),
            pl.BlockSpec((1, 32), lambda: (0, 0)),
            pl.BlockSpec((32, 1), lambda: (0, 0)),
            pl.BlockSpec((1, 1), lambda: (0, 0)),
        ],
        out_specs=pl.BlockSpec((_B, 1), lambda: (0, 0)),
        out_shape=jax.ShapeDtypeStruct((_B, 1), f32),
    )(pooled, proteins,
      p['fc1_W'].T, p['fc1_b'][None, :], bn3_s, bn3_h,
      p['fc2_W'].T, p['fc2_b'][None, :],
      p['fc3_W'].T, p['fc3_b'][None, :],
      p['convx_W'].T, p['convx_b'][None, :],
      p['fc11_W'].T, p['fc11_b'][None, :],
      p['fc12_W'].T, p['fc12_b'][None, :],
      p['out_W'].T, p['out_b'][None, :])
    return out

# --- scband reference (transcript-rebuilt; emitter-appended) ---
"""Pipeline reference for scband-gat-gcn-78185584656718 (READ-ONLY COPY).

The authoritative reference and input builder live on the scoring server;
editing this copy changes nothing except your own understanding.
"""

import jax, jax.numpy as jnp
import numpy as np

N = 10000
E = 640000
B = 128
D_IN = 32
D_EDGE = 16


def _lin_init(k, out_d, in_d):
    s = 1.0 / np.sqrt(in_d)
    kw, kb = jax.random.split(k)
    W = jax.random.uniform(kw, (out_d, in_d), minval=-s, maxval=s, dtype=jnp.float32)
    b = jax.random.uniform(kb, (out_d,), minval=-s, maxval=s, dtype=jnp.float32)
    return W, b


def _init_params(key):
    ks = jax.random.split(key, 16)
    p = {}
    p['W_enc'], p['b_enc'] = _lin_init(ks[0], D_IN, D_EDGE)
    p['W_src'], p['b_src'] = _lin_init(ks[1], 128, D_IN)
    p['W_dst'], p['b_dst'] = _lin_init(ks[2], 128, D_IN)
    p['t'] = jnp.ones((1,), jnp.float32)
    p['mlp_W1'], p['mlp_b1'] = _lin_init(ks[3], 256, 128)
    p['ln_g'] = jnp.ones((256,), jnp.float32)
    p['ln_b'] = jnp.zeros((256,), jnp.float32)
    p['mlp_W2'], p['mlp_b2'] = _lin_init(ks[4], 128, 256)
    for name, d in [('bn1', 128), ('bn3', 64)]:
        p[name + '_g'] = jnp.ones((d,), jnp.float32)
        p[name + '_b'] = jnp.zeros((d,), jnp.float32)
        p[name + '_m'] = jnp.zeros((d,), jnp.float32)
        p[name + '_v'] = jnp.ones((d,), jnp.float32)
    p['fc1_W'], p['fc1_b'] = _lin_init(ks[5], 64, 128)
    p['fc2_W'], p['fc2_b'] = _lin_init(ks[6], 32, 64)
    p['fc3_W'], p['fc3_b'] = _lin_init(ks[7], 1, 32)
    p['convx_W'], p['convx_b'] = _lin_init(ks[8], 63, 32)
    p['fc11_W'], p['fc11_b'] = _lin_init(ks[9], 128, 64)
    p['fc12_W'], p['fc12_b'] = _lin_init(ks[10], 32, 128)
    p['out_W'], p['out_b'] = _lin_init(ks[11], 1, 32)
    return p


def _bn(x, p, name, eps=1e-5):
    return (x - p[name + '_m']) / jnp.sqrt(p[name + '_v'] + eps) * p[name + '_g'] + p[name + '_b']


def _forward(proteins, edge_index, edge_attr, x, batch, params):
    p = params
    n = x.shape[0]
    b = proteins.shape[0]
    # edge encoder created in forward in the original; output is unused downstream
    _enc = edge_attr @ p['W_enc'].T + p['b_enc']
    src = edge_index[0]
    dst = edge_index[1]
    # GENConv(32,128, aggr='softmax', t=1.0, learn_t=True, num_layers=2, norm='layer')
    h = x @ p['W_src'].T + p['b_src']
    msg = jax.nn.relu(h[src]) + 1e-7
    logits = msg * p['t']
    m = jax.ops.segment_max(logits, dst, num_segments=n)
    m = jnp.where(jnp.isfinite(m), m, 0.0)
    e = jnp.exp(logits - m[dst])
    denom = jax.ops.segment_sum(e, dst, num_segments=n)
    alpha = e / (denom[dst] + 1e-16)
    aggr = jax.ops.segment_sum(msg * alpha, dst, num_segments=n)
    out = aggr + (x @ p['W_dst'].T + p['b_dst'])
    # MLP: Linear(128,256) -> LayerNorm -> ReLU -> Linear(256,128)
    hm = out @ p['mlp_W1'].T + p['mlp_b1']
    mu = hm.mean(-1, keepdims=True)
    var = jnp.var(hm, axis=-1, keepdims=True)
    hm = (hm - mu) / jnp.sqrt(var + 1e-5) * p['ln_g'] + p['ln_b']
    hm = jax.nn.relu(hm)
    xg = hm @ p['mlp_W2'].T + p['mlp_b2']
    xg = _bn(xg, p, 'bn1')
    # global max pool per graph
    pooled = jax.ops.segment_max(xg, batch, num_segments=b)
    pooled = jnp.where(jnp.isfinite(pooled), pooled, 0.0)
    z = jax.nn.relu(pooled @ p['fc1_W'].T + p['fc1_b'])
    z = _bn(z, p, 'bn3')
    z = jax.nn.relu(z @ p['fc2_W'].T + p['fc2_b'])
    # dropout(p=0.1) in eval mode -> identity
    drugs = z @ p['fc3_W'].T + p['fc3_b']
    # Conv1d(32,63,k=1) on unsqueezed proteins == linear; MaxPool1d(k=1) == identity
    conv_xt = jax.nn.relu(proteins @ p['convx_W'].T + p['convx_b'])
    xc = jnp.concatenate([drugs, conv_xt], axis=-1)
    xc = xc @ p['fc11_W'].T + p['fc11_b']
    xc = jax.nn.relu(xc @ p['fc12_W'].T + p['fc12_b'])
    return xc @ p['out_W'].T + p['out_b']


def setup_inputs(seed: int = 0):
    key = jax.random.key(seed)
    ks = jax.random.split(key, 8)
    return {
        'proteins': jax.random.normal(ks[0], (B, 32), jnp.float32),
        'edge_index': jax.random.randint(ks[1], (2, E), 0, N, dtype=jnp.int32),
        'edge_attr': jax.random.normal(ks[2], (E, D_EDGE), jnp.float32),
        'x': jax.random.normal(ks[3], (N, D_IN), jnp.float32),
        'batch': jnp.sort(jax.random.randint(ks[4], (N,), 0, B, dtype=jnp.int32)),
        'params': _init_params(ks[5]),
    }


def reference(proteins, edge_index, edge_attr, x, batch, params):
    return _forward(proteins, edge_index, edge_attr, x, batch, params)

if __name__ == "__main__":
    import jax
    _d = setup_inputs()
    print(jax.jit(kernel)(*tuple(_d.values())))

</pallas_src>

<mosaic_0001>
#map = affine_map<(d0, d1) -> (0, 0)>
module attributes {stable_mosaic.version = 14 : i64} {
  func.func @_sc_body(%arg0: i32, %arg1: i32, %arg2: memref<10000x128xf32, #tpu.memory_space<hbm>>, %arg3: memref<10000x128xf32, #tpu.memory_space<hbm>>, %arg4: memref<5120x128xi32, #tpu.memory_space<hbm>>, %arg5: memref<5120x128xi32, #tpu.memory_space<hbm>>, %arg6: memref<632x128xf32, #tpu.memory_space<hbm>>, %arg7: memref<20224x128xf32, #tpu.memory_space<hbm>>, %arg8: memref<3x128xi32, #tpu.memory_space<vmem>>, %arg9: memref<128x128xi32, #tpu.memory_space<vmem>>, %arg10: memref<128x128xi32, #tpu.memory_space<vmem>>, %arg11: memref<128x128xf32, #tpu.memory_space<vmem>>, %arg12: memref<10112x128xf32, #tpu.memory_space<vmem_shared>>, %arg13: memref<!tpu.dma_semaphore, #tpu.memory_space<semaphore_mem>>) attributes {dimension_semantics = [#tpu.dimension_semantics<core_parallel>, #tpu.dimension_semantics<subcore_parallel>], iteration_bounds = array<i64: 2, 16>, scalar_prefetch = 0 : i64, scratch_operands = 6 : i64, tpu.core_type = #tpu.core_type<sc_vector_subcore>, window_params = [{transform_indices = #map}, {transform_indices = #map}, {transform_indices = #map}, {transform_indices = #map}, {transform_indices = #map}, {transform_indices = #map}]} {
    %mul3A = arith.constant 320 : i32
    %mul3A_0 = arith.muli %arg1, %mul3A : i32
    %iota3A = tpu.iota {dimensions = array<i32: 0>} : vector<16xi32>
    %add3A = arith.constant 0 : i32
    %add3A_1 = arith.addi %mul3A_0, %add3A : i32
    %add3A_2 = arith.constant 0 : i32
    %add3A_3 = arith.addi %add3A_1, %add3A_2 : i32
    %add3A_4 = vector.broadcast %add3A_3 : i32 to vector<16xi32>
    %add3A_5 = arith.addi %iota3A, %add3A_4 : vector<16xi32>
    %min3A = arith.constant 5119 : i32
    %min3A_6 = vector.broadcast %min3A : i32 to vector<16xi32>
    %min3A_7 = arith.minsi %add3A_5, %min3A_6 : vector<16xi32>
    %swap3A = arith.constant 0 : i32
    %swap3A_8 = arith.index_cast %swap3A : i32 to index
    %swap3A_9 = arith.constant 0 : index
    %swap3A_10 = tpu.vector_load %arg8[%swap3A_8, %swap3A_9] {strides = array<i32>} : memref<3x128xi32, #tpu.memory_space<vmem>>, vector<1x16xi32>,
    %swap3A_11 = vector.shape_cast %swap3A_10 : vector<1x16xi32> to vector<16xi32>
    %swap3A_12 = vector.shape_cast %min3A_7 : vector<16xi32> to vector<1x16xi32>
    tpu.vector_store %arg8[%swap3A_8, %swap3A_9], %swap3A_12 {strides = array<i32>} : memref<3x128xi32, #tpu.memory_space<vmem>>, vector<1x16xi32>,
    %add3A_13 = arith.constant 0 : i32
    %add3A_14 = arith.addi %mul3A_0, %add3A_13 : i32
    %add3A_15 = arith.constant 16 : i32
    %add3A_16 = arith.addi %add3A_14, %add3A_15 : i32
    %add3A_17 = vector.broadcast %add3A_16 : i32 to vector<16xi32>
    %add3A_18 = arith.addi %iota3A, %add3A_17 : vector<16xi32>
    %min3A_19 = arith.constant 5119 : i32
    %min3A_20 = vector.broadcast %min3A_19 : i32 to vector<16xi32>
    %min3A_21 = arith.minsi %add3A_18, %min3A_20 : vector<16xi32>
    %swap3A_22 = arith.constant 0 : i32
    %swap3A_23 = arith.index_cast %swap3A_22 : i32 to index
    %swap3A_24 = arith.constant 16 : index
    %swap3A_25 = tpu.vector_load %arg8[%swap3A_23, %swap3A_24] {strides = array<i32>} : memref<3x128xi32, #tpu.memory_space<vmem>>, vector<1x16xi32>,
    %swap3A_26 = vector.shape_cast %swap3A_25 : vector<1x16xi32> to vector<16xi32>
    %swap3A_27 = vector.shape_cast %min3A_21 : vector<16xi32> to vector<1x16xi32>
    tpu.vector_store %arg8[%swap3A_23, %swap3A_24], %swap3A_27 {strides = array<i32>} : memref<3x128xi32, #tpu.memory_space<vmem>>, vector<1x16xi32>,
    %add3A_28 = arith.constant 0 : i32
    %add3A_29 = arith.addi %mul3A_0, %add3A_28 : i32
    %add3A_30 = arith.constant 32 : i32
    %add3A_31 = arith.addi %add3A_29, %add3A_30 : i32
    %add3A_32 = vector.broadcast %add3A_31 : i32 to vector<16xi32>
    %add3A_33 = arith.addi %iota3A, %add3A_32 : vector<16xi32>
    %min3A_34 = arith.constant 5119 : i32
    %min3A_35 = vector.broadcast %min3A_34 : i32 to vector<16xi32>
    %min3A_36 = arith.minsi %add3A_33, %min3A_35 : vector<16xi32>
    %swap3A_37 = arith.constant 0 : i32
    %swap3A_38 = arith.index_cast %swap3A_37 : i32 to index
    %swap3A_39 = arith.constant 32 : index
    %swap3A_40 = tpu.vector_load %arg8[%swap3A_38, %swap3A_39] {strides = array<i32>} : memref<3x128xi32, #tpu.memory_space<vmem>>, vector<1x16xi32>,
    %swap3A_41 = vector.shape_cast %swap3A_40 : vector<1x16xi32> to vector<16xi32>
    %swap3A_42 = vector.shape_cast %min3A_36 : vector<16xi32> to vector<1x16xi32>
    tpu.vector_store %arg8[%swap3A_38, %swap3A_39], %swap3A_42 {strides = array<i32>} : memref<3x128xi32, #tpu.memory_space<vmem>>, vector<1x16xi32>,
    %add3A_43 = arith.constant 0 : i32
    %add3A_44 = arith.addi %mul3A_0, %add3A_43 : i32
    %add3A_45 = arith.constant 48 : i32
    %add3A_46 = arith.addi %add3A_44, %add3A_45 : i32
    %add3A_47 = vector.broadcast %add3A_46 : i32 to vector<16xi32>
    %add3A_48 = arith.addi %iota3A, %add3A_47 : vector<16xi32>
    %min3A_49 = arith.constant 5119 : i32
    %min3A_50 = vector.broadcast %min3A_49 : i32 to vector<16xi32>
    %min3A_51 = arith.minsi %add3A_48, %min3A_50 : vector<16xi32>
    %swap3A_52 = arith.constant 0 : i32
    %swap3A_53 = arith.index_cast %swap3A_52 : i32 to index
    %swap3A_54 = arith.constant 48 : index
    %swap3A_55 = tpu.vector_load %arg8[%swap3A_53, %swap3A_54] {strides = array<i32>} : memref<3x128xi32, #tpu.memory_space<vmem>>, vector<1x16xi32>,
    %swap3A_56 = vector.shape_cast %swap3A_55 : vector<1x16xi32> to vector<16xi32>
    %swap3A_57 = vector.shape_cast %min3A_51 : vector<16xi32> to vector<1x16xi32>
    tpu.vector_store %arg8[%swap3A_53, %swap3A_54], %swap3A_57 {strides = array<i32>} : memref<3x128xi32, #tpu.memory_space<vmem>>, vector<1x16xi32>,
    %add3A_58 = arith.constant 0 : i32
    %add3A_59 = arith.addi %mul3A_0, %add3A_58 : i32
    %add3A_60 = arith.constant 64 : i32
    %add3A_61 = arith.addi %add3A_59, %add3A_60 : i32
    %add3A_62 = vector.broadcast %add3A_61 : i32 to vector<16xi32>
    %add3A_63 = arith.addi %iota3A, %add3A_62 : vector<16xi32>
    %min3A_64 = arith.constant 5119 : i32
    %min3A_65 = vector.broadcast %min3A_64 : i32 to vector<16xi32>
    %min3A_66 = arith.minsi %add3A_63, %min3A_65 : vector<16xi32>
    %swap3A_67 = arith.constant 0 : i32
    %swap3A_68 = arith.index_cast %swap3A_67 : i32 to index
    %swap3A_69 = arith.constant 64 : index
    %swap3A_70 = tpu.vector_load %arg8[%swap3A_68, %swap3A_69] {strides = array<i32>} : memref<3x128xi32, #tpu.memory_space<vmem>>, vector<1x16xi32>,
    %swap3A_71 = vector.shape_cast %swap3A_70 : vector<1x16xi32> to vector<16xi32>
    %swap3A_72 = vector.shape_cast %min3A_66 : vector<16xi32> to vector<1x16xi32>
    tpu.vector_store %arg8[%swap3A_68, %swap3A_69], %swap3A_72 {strides = array<i32>} : memref<3x128xi32, #tpu.memory_space<vmem>>, vector<1x16xi32>,
    %add3A_73 = arith.constant 0 : i32
    %add3A_74 = arith.addi %mul3A_0, %add3A_73 : i32
    %add3A_75 = arith.constant 80 : i32
    %add3A_76 = arith.addi %add3A_74, %add3A_75 : i32
    %add3A_77 = vector.broadcast %add3A_76 : i32 to vector<16xi32>
    %add3A_78 = arith.addi %iota3A, %add3A_77 : vector<16xi32>
    %min3A_79 = arith.constant 5119 : i32
    %min3A_80 = vector.broadcast %min3A_79 : i32 to vector<16xi32>
    %min3A_81 = arith.minsi %add3A_78, %min3A_80 : vector<16xi32>
    %swap3A_82 = arith.constant 0 : i32
    %swap3A_83 = arith.index_cast %swap3A_82 : i32 to index
    %swap3A_84 = arith.constant 80 : index
    %swap3A_85 = tpu.vector_load %arg8[%swap3A_83, %swap3A_84] {strides = array<i32>} : memref<3x128xi32, #tpu.memory_space<vmem>>, vector<1x16xi32>,
    %swap3A_86 = vector.shape_cast %swap3A_85 : vector<1x16xi32> to vector<16xi32>
    %swap3A_87 = vector.shape_cast %min3A_81 : vector<16xi32> to vector<1x16xi32>
    tpu.vector_store %arg8[%swap3A_83, %swap3A_84], %swap3A_87 {strides = array<i32>} : memref<3x128xi32, #tpu.memory_space<vmem>>, vector<1x16xi32>,
    %add3A_88 = arith.constant 0 : i32
    %add3A_89 = arith.addi %mul3A_0, %add3A_88 : i32
    %add3A_90 = arith.constant 96 : i32
    %add3A_91 = arith.addi %add3A_89, %add3A_90 : i32
    %add3A_92 = vector.broadcast %add3A_91 : i32 to vector<16xi32>
    %add3A_93 = arith.addi %iota3A, %add3A_92 : vector<16xi32>
    %min3A_94 = arith.constant 5119 : i32
    %min3A_95 = vector.broadcast %min3A_94 : i32 to vector<16xi32>
    %min3A_96 = arith.minsi %add3A_93, %min3A_95 : vector<16xi32>
    %swap3A_97 = arith.constant 0 : i32
    %swap3A_98 = arith.index_cast %swap3A_97 : i32 to index
    %swap3A_99 = arith.constant 96 : index
    %swap3A_100 = tpu.vector_load %arg8[%swap3A_98, %swap3A_99] {strides = array<i32>} : memref<3x128xi32, #tpu.memory_space<vmem>>, vector<1x16xi32>,
    %swap3A_101 = vector.shape_cast %swap3A_100 : vector<1x16xi32> to vector<16xi32>
    %swap3A_102 = vector.shape_cast %min3A_96 : vector<16xi32> to vector<1x16xi32>
    tpu.vector_store %arg8[%swap3A_98, %swap3A_99], %swap3A_102 {strides = array<i32>} : memref<3x128xi32, #tpu.memory_space<vmem>>, vector<1x16xi32>,
    %add3A_103 = arith.constant 0 : i32
    %add3A_104 = arith.addi %mul3A_0, %add3A_103 : i32
    %add3A_105 = arith.constant 112 : i32
    %add3A_106 = arith.addi %add3A_104, %add3A_105 : i32
    %add3A_107 = vector.broadcast %add3A_106 : i32 to vector<16xi32>
    %add3A_108 = arith.addi %iota3A, %add3A_107 : vector<16xi32>
    %min3A_109 = arith.constant 5119 : i32
    %min3A_110 = vector.broadcast %min3A_109 : i32 to vector<16xi32>
    %min3A_111 = arith.minsi %add3A_108, %min3A_110 : vector<16xi32>
    %swap3A_112 = arith.constant 0 : i32
    %swap3A_113 = arith.index_cast %swap3A_112 : i32 to index
    %swap3A_114 = arith.constant 112 : index
    %swap3A_115 = tpu.vector_load %arg8[%swap3A_113, %swap3A_114] {strides = array<i32>} : memref<3x128xi32, #tpu.memory_space<vmem>>, vector<1x16xi32>,
    %swap3A_116 = vector.shape_cast %swap3A_115 : vector<1x16xi32> to vector<16xi32>
    %swap3A_117 = vector.shape_cast %min3A_111 : vector<16xi32> to vector<1x16xi32>
    tpu.vector_store %arg8[%swap3A_113, %swap3A_114], %swap3A_117 {strides = array<i32>} : memref<3x128xi32, #tpu.memory_space<vmem>>, vector<1x16xi32>,
    %add3A_118 = arith.constant 128 : i32
    %add3A_119 = arith.addi %mul3A_0, %add3A_118 : i32
    %add3A_120 = arith.constant 0 : i32
    %add3A_121 = arith.addi %add3A_119, %add3A_120 : i32
    %add3A_122 = vector.broadcast %add3A_121 : i32 to vector<16xi32>
    %add3A_123 = arith.addi %iota3A, %add3A_122 : vector<16xi32>
    %min3A_124 = arith.constant 5119 : i32
    %min3A_125 = vector.broadcast %min3A_124 : i32 to vector<16xi32>
    %min3A_126 = arith.minsi %add3A_123, %min3A_125 : vector<16xi32>
    %swap3A_127 = arith.constant 1 : i32
    %swap3A_128 = arith.index_cast %swap3A_127 : i32 to index
    %swap3A_129 = arith.constant 0 : index
    %swap3A_130 = tpu.vector_load %arg8[%swap3A_128, %swap3A_129] {strides = array<i32>} : memref<3x128xi32, #tpu.memory_space<vmem>>, vector<1x16xi32>,
    %swap3A_131 = vector.shape_cast %swap3A_130 : vector<1x16xi32> to vector<16xi32>
    %swap3A_132 = vector.shape_cast %min3A_126 : vector<16xi32> to vector<1x16xi32>
    tpu.vector_store %arg8[%swap3A_128, %swap3A_129], %swap3A_132 {strides = array<i32>} : memref<3x128xi32, #tpu.memory_space<vmem>>, vector<1x16xi32>,
    %add3A_133 = arith.constant 128 : i32
    %add3A_134 = arith.addi %mul3A_0, %add3A_133 : i32
    %add3A_135 = arith.constant 16 : i32
    %add3A_136 = arith.addi %add3A_134, %add3A_135 : i32
    %add3A_137 = vector.broadcast %add3A_136 : i32 to vector<16xi32>
    %add3A_138 = arith.addi %iota3A, %add3A_137 : vector<16xi32>
    %min3A_139 = arith.constant 5119 : i32
    %min3A_140 = vector.broadcast %min3A_139 : i32 to vector<16xi32>
    %min3A_141 = arith.minsi %add3A_138, %min3A_140 : vector<16xi32>
    %swap3A_142 = arith.constant 1 : i32
    %swap3A_143 = arith.index_cast %swap3A_142 : i32 to index
    %swap3A_144 = arith.constant 16 : index
    %swap3A_145 = tpu.vector_load %arg8[%swap3A_143, %swap3A_144] {strides = array<i32>} : memref<3x128xi32, #tpu.memory_space<vmem>>, vector<1x16xi32>,
    %swap3A_146 = vector.shape_cast %swap3A_145 : vector<1x16xi32> to vector<16xi32>
    %swap3A_147 = vector.shape_cast %min3A_141 : vector<16xi32> to vector<1x16xi32>
    tpu.vector_store %arg8[%swap3A_143, %swap3A_144], %swap3A_147 {strides = array<i32>} : memref<3x128xi32, #tpu.memory_space<vmem>>, vector<1x16xi32>,
    %add3A_148 = arith.constant 128 : i32
    %add3A_149 = arith.addi %mul3A_0, %add3A_148 : i32
    %add3A_150 = arith.constant 32 : i32
    %add3A_151 = arith.addi %add3A_149, %add3A_150 : i32
    %add3A_152 = vector.broadcast %add3A_151 : i32 to vector<16xi32>
    %add3A_153 = arith.addi %iota3A, %add3A_152 : vector<16xi32>
    %min3A_154 = arith.constant 5119 : i32
    %min3A_155 = vector.broadcast %min3A_154 : i32 to vector<16xi32>
    %min3A_156 = arith.minsi %add3A_153, %min3A_155 : vector<16xi32>
    %swap3A_157 = arith.constant 1 : i32
    %swap3A_158 = arith.index_cast %swap3A_157 : i32 to index
    %swap3A_159 = arith.constant 32 : index
    %swap3A_160 = tpu.vector_load %arg8[%swap3A_158, %swap3A_159] {strides = array<i32>} : memref<3x128xi32, #tpu.memory_space<vmem>>, vector<1x16xi32>,
    %swap3A_161 = vector.shape_cast %swap3A_160 : vector<1x16xi32> to vector<16xi32>
    %swap3A_162 = vector.shape_cast %min3A_156 : vector<16xi32> to vector<1x16xi32>
    tpu.vector_store %arg8[%swap3A_158, %swap3A_159], %swap3A_162 {strides = array<i32>} : memref<3x128xi32, #tpu.memory_space<vmem>>, vector<1x16xi32>,
    %add3A_163 = arith.constant 128 : i32
    %add3A_164 = arith.addi %mul3A_0, %add3A_163 : i32
    %add3A_165 = arith.constant 48 : i32
    %add3A_166 = arith.addi %add3A_164, %add3A_165 : i32
    %add3A_167 = vector.broadcast %add3A_166 : i32 to vector<16xi32>
    %add3A_168 = arith.addi %iota3A, %add3A_167 : vector<16xi32>
    %min3A_169 = arith.constant 5119 : i32
    %min3A_170 = vector.broadcast %min3A_169 : i32 to vector<16xi32>
    %min3A_171 = arith.minsi %add3A_168, %min3A_170 : vector<16xi32>
    %swap3A_172 = arith.constant 1 : i32
    %swap3A_173 = arith.index_cast %swap3A_172 : i32 to index
    %swap3A_174 = arith.constant 48 : index
    %swap3A_175 = tpu.vector_load %arg8[%swap3A_173, %swap3A_174] {strides = array<i32>} : memref<3x128xi32, #tpu.memory_space<vmem>>, vector<1x16xi32>,
    %swap3A_176 = vector.shape_cast %swap3A_175 : vector<1x16xi32> to vector<16xi32>
    %swap3A_177 = vector.shape_cast %min3A_171 : vector<16xi32> to vector<1x16xi32>
    tpu.vector_store %arg8[%swap3A_173, %swap3A_174], %swap3A_177 {strides = array<i32>} : memref<3x128xi32, #tpu.memory_space<vmem>>, vector<1x16xi32>,
    %add3A_178 = arith.constant 128 : i32
    %add3A_179 = arith.addi %mul3A_0, %add3A_178 : i32
    %add3A_180 = arith.constant 64 : i32
    %add3A_181 = arith.addi %add3A_179, %add3A_180 : i32
    %add3A_182 = vector.broadcast %add3A_181 : i32 to vector<16xi32>
    %add3A_183 = arith.addi %iota3A, %add3A_182 : vector<16xi32>
    %min3A_184 = arith.constant 5119 : i32
    %min3A_185 = vector.broadcast %min3A_184 : i32 to vector<16xi32>
    %min3A_186 = arith.minsi %add3A_183, %min3A_185 : vector<16xi32>
    %swap3A_187 = arith.constant 1 : i32
    %swap3A_188 = arith.index_cast %swap3A_187 : i32 to index
    %swap3A_189 = arith.constant 64 : index
    %swap3A_190 = tpu.vector_load %arg8[%swap3A_188, %swap3A_189] {strides = array<i32>} : memref<3x128xi32, #tpu.memory_space<vmem>>, vector<1x16xi32>,
    %swap3A_191 = vector.shape_cast %swap3A_190 : vector<1x16xi32> to vector<16xi32>
    %swap3A_192 = vector.shape_cast %min3A_186 : vector<16xi32> to vector<1x16xi32>
    tpu.vector_store %arg8[%swap3A_188, %swap3A_189], %swap3A_192 {strides = array<i32>} : memref<3x128xi32, #tpu.memory_space<vmem>>, vector<1x16xi32>,
    %add3A_193 = arith.constant 128 : i32
    %add3A_194 = arith.addi %mul3A_0, %add3A_193 : i32
    %add3A_195 = arith.constant 80 : i32
    %add3A_196 = arith.addi %add3A_194, %add3A_195 : i32
    %add3A_197 = vector.broadcast %add3A_196 : i32 to vector<16xi32>
    %add3A_198 = arith.addi %iota3A, %add3A_197 : vector<16xi32>
    %min3A_199 = arith.constant 5119 : i32
    %min3A_200 = vector.broadcast %min3A_199 : i32 to vector<16xi32>
    %min3A_201 = arith.minsi %add3A_198, %min3A_200 : vector<16xi32>
    %swap3A_202 = arith.constant 1 : i32
    %swap3A_203 = arith.index_cast %swap3A_202 : i32 to index
    %swap3A_204 = arith.constant 80 : index
    %swap3A_205 = tpu.vector_load %arg8[%swap3A_203, %swap3A_204] {strides = array<i32>} : memref<3x128xi32, #tpu.memory_space<vmem>>, vector<1x16xi32>,
    %swap3A_206 = vector.shape_cast %swap3A_205 : vector<1x16xi32> to vector<16xi32>
    %swap3A_207 = vector.shape_cast %min3A_201 : vector<16xi32> to vector<1x16xi32>
    tpu.vector_store %arg8[%swap3A_203, %swap3A_204], %swap3A_207 {strides = array<i32>} : memref<3x128xi32, #tpu.memory_space<vmem>>, vector<1x16xi32>,
    %add3A_208 = arith.constant 128 : i32
    %add3A_209 = arith.addi %mul3A_0, %add3A_208 : i32
    %add3A_210 = arith.constant 96 : i32
    %add3A_211 = arith.addi %add3A_209, %add3A_210 : i32
    %add3A_212 = vector.broadcast %add3A_211 : i32 to vector<16xi32>
    %add3A_213 = arith.addi %iota3A, %add3A_212 : vector<16xi32>
    %min3A_214 = arith.constant 5119 : i32
    %min3A_215 = vector.broadcast %min3A_214 : i32 to vector<16xi32>
    %min3A_216 = arith.minsi %add3A_213, %min3A_215 : vector<16xi32>
    %swap3A_217 = arith.constant 1 : i32
    %swap3A_218 = arith.index_cast %swap3A_217 : i32 to index
    %swap3A_219 = arith.constant 96 : index
    %swap3A_220 = tpu.vector_load %arg8[%swap3A_218, %swap3A_219] {strides = array<i32>} : memref<3x128xi32, #tpu.memory_space<vmem>>, vector<1x16xi32>,
    %swap3A_221 = vector.shape_cast %swap3A_220 : vector<1x16xi32> to vector<16xi32>
    %swap3A_222 = vector.shape_cast %min3A_216 : vector<16xi32> to vector<1x16xi32>
    tpu.vector_store %arg8[%swap3A_218, %swap3A_219], %swap3A_222 {strides = array<i32>} : memref<3x128xi32, #tpu.memory_space<vmem>>, vector<1x16xi32>,
    %add3A_223 = arith.constant 128 : i32
    %add3A_224 = arith.addi %mul3A_0, %add3A_223 : i32
    %add3A_225 = arith.constant 112 : i32
    %add3A_226 = arith.addi %add3A_224, %add3A_225 : i32
    %add3A_227 = vector.broadcast %add3A_226 : i32 to vector<16xi32>
    %add3A_228 = arith.addi %iota3A, %add3A_227 : vector<16xi32>
    %min3A_229 = arith.constant 5119 : i32
    %min3A_230 = vector.broadcast %min3A_229 : i32 to vector<16xi32>
    %min3A_231 = arith.minsi %add3A_228, %min3A_230 : vector<16xi32>
    %swap3A_232 = arith.constant 1 : i32
    %swap3A_233 = arith.index_cast %swap3A_232 : i32 to index
    %swap3A_234 = arith.constant 112 : index
    %swap3A_235 = tpu.vector_load %arg8[%swap3A_233, %swap3A_234] {strides = array<i32>} : memref<3x128xi32, #tpu.memory_space<vmem>>, vector<1x16xi32>,
    %swap3A_236 = vector.shape_cast %swap3A_235 : vector<1x16xi32> to vector<16xi32>
    %swap3A_237 = vector.shape_cast %min3A_231 : vector<16xi32> to vector<1x16xi32>
    tpu.vector_store %arg8[%swap3A_233, %swap3A_234], %swap3A_237 {strides = array<i32>} : memref<3x128xi32, #tpu.memory_space<vmem>>, vector<1x16xi32>,
    %add3A_238 = arith.constant 256 : i32
    %add3A_239 = arith.addi %mul3A_0, %add3A_238 : i32
    %add3A_240 = arith.constant 0 : i32
    %add3A_241 = arith.addi %add3A_239, %add3A_240 : i32
    %add3A_242 = vector.broadcast %add3A_241 : i32 to vector<16xi32>
    %add3A_243 = arith.addi %iota3A, %add3A_242 : vector<16xi32>
    %min3A_244 = arith.constant 5119 : i32
    %min3A_245 = vector.broadcast %min3A_244 : i32 to vector<16xi32>
    %min3A_246 = arith.minsi %add3A_243, %min3A_245 : vector<16xi32>
    %swap3A_247 = arith.constant 2 : i32
    %swap3A_248 = arith.index_cast %swap3A_247 : i32 to index
    %swap3A_249 = arith.constant 0 : index
    %swap3A_250 = tpu.vector_load %arg8[%swap3A_248, %swap3A_249] {strides = array<i32>} : memref<3x128xi32, #tpu.memory_space<vmem>>, vector<1x16xi32>,
    %swap3A_251 = vector.shape_cast %swap3A_250 : vector<1x16xi32> to vector<16xi32>
    %swap3A_252 = vector.shape_cast %min3A_246 : vector<16xi32> to vector<1x16xi32>
    tpu.vector_store %arg8[%swap3A_248, %swap3A_249], %swap3A_252 {strides = array<i32>} : memref<3x128xi32, #tpu.memory_space<vmem>>, vector<1x16xi32>,
    %add3A_253 = arith.constant 256 : i32
    %add3A_254 = arith.addi %mul3A_0, %add3A_253 : i32
    %add3A_255 = arith.constant 16 : i32
    %add3A_256 = arith.addi %add3A_254, %add3A_255 : i32
    %add3A_257 = vector.broadcast %add3A_256 : i32 to vector<16xi32>
    %add3A_258 = arith.addi %iota3A, %add3A_257 : vector<16xi32>
    %min3A_259 = arith.constant 5119 : i32
    %min3A_260 = vector.broadcast %min3A_259 : i32 to vector<16xi32>
    %min3A_261 = arith.minsi %add3A_258, %min3A_260 : vector<16xi32>
    %swap3A_262 = arith.constant 2 : i32
    %swap3A_263 = arith.index_cast %swap3A_262 : i32 to index
    %swap3A_264 = arith.constant 16 : index
    %swap3A_265 = tpu.vector_load %arg8[%swap3A_263, %swap3A_264] {strides = array<i32>} : memref<3x128xi32, #tpu.memory_space<vmem>>, vector<1x16xi32>,
    %swap3A_266 = vector.shape_cast %swap3A_265 : vector<1x16xi32> to vector<16xi32>
    %swap3A_267 = vector.shape_cast %min3A_261 : vector<16xi32> to vector<1x16xi32>
    tpu.vector_store %arg8[%swap3A_263, %swap3A_264], %swap3A_267 {strides = array<i32>} : memref<3x128xi32, #tpu.memory_space<vmem>>, vector<1x16xi32>,
    %add3A_268 = arith.constant 256 : i32
    %add3A_269 = arith.addi %mul3A_0, %add3A_268 : i32
    %add3A_270 = arith.constant 32 : i32
    %add3A_271 = arith.addi %add3A_269, %add3A_270 : i32
    %add3A_272 = vector.broadcast %add3A_271 : i32 to vector<16xi32>
    %add3A_273 = arith.addi %iota3A, %add3A_272 : vector<16xi32>
    %min3A_274 = arith.constant 5119 : i32
    %min3A_275 = vector.broadcast %min3A_274 : i32 to vector<16xi32>
    %min3A_276 = arith.minsi %add3A_273, %min3A_275 : vector<16xi32>
    %swap3A_277 = arith.constant 2 : i32
    %swap3A_278 = arith.index_cast %swap3A_277 : i32 to index
    %swap3A_279 = arith.constant 32 : index
    %swap3A_280 = tpu.vector_load %arg8[%swap3A_278, %swap3A_279] {strides = array<i32>} : memref<3x128xi32, #tpu.memory_space<vmem>>, vector<1x16xi32>,
    %swap3A_281 = vector.shape_cast %swap3A_280 : vector<1x16xi32> to vector<16xi32>
    %swap3A_282 = vector.shape_cast %min3A_276 : vector<16xi32> to vector<1x16xi32>
    tpu.vector_store %arg8[%swap3A_278, %swap3A_279], %swap3A_282 {strides = array<i32>} : memref<3x128xi32, #tpu.memory_space<vmem>>, vector<1x16xi32>,
    %add3A_283 = arith.constant 256 : i32
    %add3A_284 = arith.addi %mul3A_0, %add3A_283 : i32
    %add3A_285 = arith.constant 48 : i32
    %add3A_286 = arith.addi %add3A_284, %add3A_285 : i32
    %add3A_287 = vector.broadcast %add3A_286 : i32 to vector<16xi32>
    %add3A_288 = arith.addi %iota3A, %add3A_287 : vector<16xi32>
    %min3A_289 = arith.constant 5119 : i32
    %min3A_290 = vector.broadcast %min3A_289 : i32 to vector<16xi32>
    %min3A_291 = arith.minsi %add3A_288, %min3A_290 : vector<16xi32>
    %swap3A_292 = arith.constant 2 : i32
    %swap3A_293 = arith.index_cast %swap3A_292 : i32 to index
    %swap3A_294 = arith.constant 48 : index
    %swap3A_295 = tpu.vector_load %arg8[%swap3A_293, %swap3A_294] {strides = array<i32>} : memref<3x128xi32, #tpu.memory_space<vmem>>, vector<1x16xi32>,
    %swap3A_296 = vector.shape_cast %swap3A_295 : vector<1x16xi32> to vector<16xi32>
    %swap3A_297 = vector.shape_cast %min3A_291 : vector<16xi32> to vector<1x16xi32>
    tpu.vector_store %arg8[%swap3A_293, %swap3A_294], %swap3A_297 {strides = array<i32>} : memref<3x128xi32, #tpu.memory_space<vmem>>, vector<1x16xi32>,
    %add3A_298 = arith.constant 256 : i32
    %add3A_299 = arith.addi %mul3A_0, %add3A_298 : i32
    %add3A_300 = arith.constant 64 : i32
    %add3A_301 = arith.addi %add3A_299, %add3A_300 : i32
    %add3A_302 = vector.broadcast %add3A_301 : i32 to vector<16xi32>
    %add3A_303 = arith.addi %iota3A, %add3A_302 : vector<16xi32>
    %min3A_304 = arith.constant 5119 : i32
    %min3A_305 = vector.broadcast %min3A_304 : i32 to vector<16xi32>
    %min3A_306 = arith.minsi %add3A_303, %min3A_305 : vector<16xi32>
    %swap3A_307 = arith.constant 2 : i32
    %swap3A_308 = arith.index_cast %swap3A_307 : i32 to index
    %swap3A_309 = arith.constant 64 : index
    %swap3A_310 = tpu.vector_load %arg8[%swap3A_308, %swap3A_309] {strides = array<i32>} : memref<3x128xi32, #tpu.memory_space<vmem>>, vector<1x16xi32>,
    %swap3A_311 = vector.shape_cast %swap3A_310 : vector<1x16xi32> to vector<16xi32>
    %swap3A_312 = vector.shape_cast %min3A_306 : vector<16xi32> to vector<1x16xi32>
    tpu.vector_store %arg8[%swap3A_308, %swap3A_309], %swap3A_312 {strides = array<i32>} : memref<3x128xi32, #tpu.memory_space<vmem>>, vector<1x16xi32>,
    %add3A_313 = arith.constant 256 : i32
    %add3A_314 = arith.addi %mul3A_0, %add3A_313 : i32
    %add3A_315 = arith.constant 80 : i32
    %add3A_316 = arith.addi %add3A_314, %add3A_315 : i32
    %add3A_317 = vector.broadcast %add3A_316 : i32 to vector<16xi32>
    %add3A_318 = arith.addi %iota3A, %add3A_317 : vector<16xi32>
    %min3A_319 = arith.constant 5119 : i32
    %min3A_320 = vector.broadcast %min3A_319 : i32 to vector<16xi32>
    %min3A_321 = arith.minsi %add3A_318, %min3A_320 : vector<16xi32>
    %swap3A_322 = arith.constant 2 : i32
    %swap3A_323 = arith.index_cast %swap3A_322 : i32 to index
    %swap3A_324 = arith.constant 80 : index
    %swap3A_325 = tpu.vector_load %arg8[%swap3A_323, %swap3A_324] {strides = array<i32>} : memref<3x128xi32, #tpu.memory_space<vmem>>, vector<1x16xi32>,
    %swap3A_326 = vector.shape_cast %swap3A_325 : vector<1x16xi32> to vector<16xi32>
    %swap3A_327 = vector.shape_cast %min3A_321 : vector<16xi32> to vector<1x16xi32>
    tpu.vector_store %arg8[%swap3A_323, %swap3A_324], %swap3A_327 {strides = array<i32>} : memref<3x128xi32, #tpu.memory_space<vmem>>, vector<1x16xi32>,
    %add3A_328 = arith.constant 256 : i32
    %add3A_329 = arith.addi %mul3A_0, %add3A_328 : i32
    %add3A_330 = arith.constant 96 : i32
    %add3A_331 = arith.addi %add3A_329, %add3A_330 : i32
    %add3A_332 = vector.broadcast %add3A_331 : i32 to vector<16xi32>
    %add3A_333 = arith.addi %iota3A, %add3A_332 : vector<16xi32>
    %min3A_334 = arith.constant 5119 : i32
    %min3A_335 = vector.broadcast %min3A_334 : i32 to vector<16xi32>
    %min3A_336 = arith.minsi %add3A_333, %min3A_335 : vector<16xi32>
    %swap3A_337 = arith.constant 2 : i32
    %swap3A_338 = arith.index_cast %swap3A_337 : i32 to index
    %swap3A_339 = arith.constant 96 : index
    %swap3A_340 = tpu.vector_load %arg8[%swap3A_338, %swap3A_339] {strides = array<i32>} : memref<3x128xi32, #tpu.memory_space<vmem>>, vector<1x16xi32>,
    %swap3A_341 = vector.shape_cast %swap3A_340 : vector<1x16xi32> to vector<16xi32>
    %swap3A_342 = vector.shape_cast %min3A_336 : vector<16xi32> to vector<1x16xi32>
    tpu.vector_store %arg8[%swap3A_338, %swap3A_339], %swap3A_342 {strides = array<i32>} : memref<3x128xi32, #tpu.memory_space<vmem>>, vector<1x16xi32>,
    %add3A_343 = arith.constant 256 : i32
    %add3A_344 = arith.addi %mul3A_0, %add3A_343 : i32
    %add3A_345 = arith.constant 112 : i32
    %add3A_346 = arith.addi %add3A_344, %add3A_345 : i32
    %add3A_347 = vector.broadcast %add3A_346 : i32 to vector<16xi32>
    %add3A_348 = arith.addi %iota3A, %add3A_347 : vector<16xi32>
    %min3A_349 = arith.constant 5119 : i32
    %min3A_350 = vector.broadcast %min3A_349 : i32 to vector<16xi32>
    %min3A_351 = arith.minsi %add3A_348, %min3A_350 : vector<16xi32>
    %swap3A_352 = arith.constant 2 : i32
    %swap3A_353 = arith.index_cast %swap3A_352 : i32 to index
    %swap3A_354 = arith.constant 112 : index
    %swap3A_355 = tpu.vector_load %arg8[%swap3A_353, %swap3A_354] {strides = array<i32>} : memref<3x128xi32, #tpu.memory_space<vmem>>, vector<1x16xi32>,
    %swap3A_356 = vector.shape_cast %swap3A_355 : vector<1x16xi32> to vector<16xi32>
    %swap3A_357 = vector.shape_cast %min3A_351 : vector<16xi32> to vector<1x16xi32>
    tpu.vector_store %arg8[%swap3A_353, %swap3A_354], %swap3A_357 {strides = array<i32>} : memref<3x128xi32, #tpu.memory_space<vmem>>, vector<1x16xi32>,
    %mul3A_358 = arith.constant 632 : i32
    %mul3A_359 = arith.muli %arg1, %mul3A_358 : i32
    "tpu.region"() ({
      %run_scoped3A = tpu.sem_alloc : memref<!tpu.dma_semaphore, #tpu.memory_space<semaphore_mem>>
      %dma_start3A = arith.constant 0 : i32
      %dma_start3A_375 = tpu.memref_slice %arg12[%mul3A_359, %dma_start3A] : memref<10112x128xf32, #tpu.memory_space<vmem_shared>> -> memref<632x128xf32, #tpu.memory_space<vmem_shared>>
      tpu.enqueue_dma source(%arg6 : memref<632x128xf32, #tpu.memory_space<hbm>>) target(%dma_start3A_375 : memref<632x128xf32, #tpu.memory_space<vmem_shared>>) target_semaphore(%run_scoped3A : memref<!tpu.dma_semaphore, #tpu.memory_space<semaphore_mem>>)
      %dma_wait3A = arith.constant 0 : i32
      %dma_wait3A_376 = tpu.memref_slice %arg12[%mul3A_359, %dma_wait3A] : memref<10112x128xf32, #tpu.memory_space<vmem_shared>> -> memref<632x128xf32, #tpu.memory_space<vmem_shared>>
      tpu.wait_dma2 semaphore(%run_scoped3A : memref<!tpu.dma_semaphore, #tpu.memory_space<semaphore_mem>>) src(%arg6 : memref<632x128xf32, #tpu.memory_space<hbm>>) dst(%dma_wait3A_376 : memref<632x128xf32, #tpu.memory_space<vmem_shared>>)
      tpu.yield
    }) : () -> ()
    %barrier3A = arith.constant 0 : index
    tpu.barrier barrier_id(%barrier3A)
    %eq3A = arith.constant 0 : i32
    %eq3A_360 = arith.cmpi eq, %arg0, %eq3A : i32
    %convert_element_type3A = arith.extui %eq3A_360 : i1 to i32
    %cond3A = arith.constant 0 : i32
    %cond3A_361 = arith.cmpi ne, %convert_element_type3A, %cond3A : i32
    scf.if %cond3A_361 {
      %dma_start3A = arith.constant 0 : i32
      %dma_start3A_375 = arith.constant 0 : i32
      %dma_start3A_376 = tpu.memref_slice %arg8[%dma_start3A, %dma_start3A_375] : memref<3x128xi32, #tpu.memory_space<vmem>> -> memref<1x128xi32, #tpu.memory_space<vmem>>
      %dma_start3A_377 = tpu.memref_squeeze %dma_start3A_376 : memref<1x128xi32, #tpu.memory_space<vmem>> -> memref<128xi32, #tpu.memory_space<vmem>>
      %dma_start3A_378 = arith.constant 0 : i32
      %dma_start3A_379 = arith.constant 0 : i32
      %dma_start3A_380 = tpu.memref_slice %arg4[%dma_start3A_378, %dma_start3A_379] : memref<5120x128xi32, #tpu.memory_space<hbm>> -> memref<5120x128xi32, #tpu.memory_space<hbm>>
      tpu.enqueue_indirect_dma source(%dma_start3A_380 : memref<5120x128xi32, #tpu.memory_space<hbm>>) target(%arg9 : memref<128x128xi32, #tpu.memory_space<vmem>>) offsets(%dma_start3A_377 : memref<128xi32, #tpu.memory_space<vmem>>) semaphore(%arg13 : memref<!tpu.dma_semaphore, #tpu.memory_space<semaphore_mem>>)
      %dma_wait3A = arith.constant 0 : i32
      %dma_wait3A_381 = arith.constant 0 : i32
      %dma_wait3A_382 = tpu.memref_slice %arg8[%dma_wait3A, %dma_wait3A_381] : memref<3x128xi32, #tpu.memory_space<vmem>> -> memref<1x128xi32, #tpu.memory_space<vmem>>
      %dma_wait3A_383 = tpu.memref_squeeze %dma_wait3A_382 : memref<1x128xi32, #tpu.memory_space<vmem>> -> memref<128xi32, #tpu.memory_space<vmem>>
      %dma_wait3A_384 = arith.constant 0 : i32
      %dma_wait3A_385 = arith.constant 0 : i32
      %dma_wait3A_386 = tpu.memref_slice %arg4[%dma_wait3A_384, %dma_wait3A_385] : memref<5120x128xi32, #tpu.memory_space<hbm>> -> memref<5120x128xi32, #tpu.memory_space<hbm>>
      tpu.wait_indirect_dma semaphore(%arg13 : memref<!tpu.dma_semaphore, #tpu.memory_space<semaphore_mem>>) src(%dma_wait3A_386 : memref<5120x128xi32, #tpu.memory_space<hbm>>) dst(%arg9 : memref<128x128xi32, #tpu.memory_space<vmem>>)
      %dma_start3A_387 = arith.constant 0 : i32
      %dma_start3A_388 = arith.constant 0 : i32
      %dma_start3A_389 = tpu.memref_slice %arg8[%dma_start3A_387, %dma_start3A_388] : memref<3x128xi32, #tpu.memory_space<vmem>> -> memref<1x128xi32, #tpu.memory_space<vmem>>
      %dma_start3A_390 = tpu.memref_squeeze %dma_start3A_389 : memref<1x128xi32, #tpu.memory_space<vmem>> -> memref<128xi32, #tpu.memory_space<vmem>>
      %dma_start3A_391 = arith.constant 0 : i32
      %dma_start3A_392 = arith.constant 0 : i32
      %dma_start3A_393 = tpu.memref_slice %arg5[%dma_start3A_391, %dma_start3A_392] : memref<5120x128xi32, #tpu.memory_space<hbm>> -> memref<5120x128xi32, #tpu.memory_space<hbm>>
      tpu.enqueue_indirect_dma source(%dma_start3A_393 : memref<5120x128xi32, #tpu.memory_space<hbm>>) target(%arg10 : memref<128x128xi32, #tpu.memory_space<vmem>>) offsets(%dma_start3A_390 : memref<128xi32, #tpu.memory_space<vmem>>) semaphore(%arg13 : memref<!tpu.dma_semaphore, #tpu.memory_space<semaphore_mem>>)
      %dma_wait3A_394 = arith.constant 0 : i32
      %dma_wait3A_395 = arith.constant 0 : i32
      %dma_wait3A_396 = tpu.memref_slice %arg8[%dma_wait3A_394, %dma_wait3A_395] : memref<3x128xi32, #tpu.memory_space<vmem>> -> memref<1x128xi32, #tpu.memory_space<vmem>>
      %dma_wait3A_397 = tpu.memref_squeeze %dma_wait3A_396 : memref<1x128xi32, #tpu.memory_space<vmem>> -> memref<128xi32, #tpu.memory_space<vmem>>
      %dma_wait3A_398 = arith.constant 0 : i32
      %dma_wait3A_399 = arith.constant 0 : i32
      %dma_wait3A_400 = tpu.memref_slice %arg5[%dma_wait3A_398, %dma_wait3A_399] : memref<5120x128xi32, #tpu.memory_space<hbm>> -> memref<5120x128xi32, #tpu.memory_space<hbm>>
      tpu.wait_indirect_dma semaphore(%arg13 : memref<!tpu.dma_semaphore, #tpu.memory_space<semaphore_mem>>) src(%dma_wait3A_400 : memref<5120x128xi32, #tpu.memory_space<hbm>>) dst(%arg10 : memref<128x128xi32, #tpu.memory_space<vmem>>)
      %scan3A = arith.constant 0 : i32
      %scan3A_401 = arith.constant 0 : i32
      %scan3A_402 = arith.constant 128 : i32
      %scan3A_403 = arith.addi %scan3A_401, %scan3A_402 : i32
      %scan3A_404 = arith.constant 1 : i32
      scf.for %scan3A_474 = %scan3A_401 to %scan3A_403 step %scan3A_404  : i32 {
        %dma_start3A_475 = arith.constant 0 : i32
        %dma_start3A_476 = tpu.memref_slice %arg9[%scan3A_474, %dma_start3A_475] : memref<128x128xi32, #tpu.memory_space<vmem>> -> memref<1x128xi32, #tpu.memory_space<vmem>>
        %dma_start3A_477 = tpu.memref_squeeze %dma_start3A_476 : memref<1x128xi32, #tpu.memory_space<vmem>> -> memref<128xi32, #tpu.memory_space<vmem>>
        %dma_start3A_478 = arith.constant 0 : i32
        %dma_start3A_479 = arith.constant 0 : i32
        %dma_start3A_480 = tpu.memref_slice %arg2[%dma_start3A_478, %dma_start3A_479] : memref<10000x128xf32, #tpu.memory_space<hbm>> -> memref<10000x128xf32, #tpu.memory_space<hbm>>
        tpu.enqueue_indirect_dma source(%dma_start3A_480 : memref<10000x128xf32, #tpu.memory_space<hbm>>) target(%arg11 : memref<128x128xf32, #tpu.memory_space<vmem>>) offsets(%dma_start3A_477 : memref<128xi32, #tpu.memory_space<vmem>>) semaphore(%arg13 : memref<!tpu.dma_semaphore, #tpu.memory_space<semaphore_mem>>)
        %dma_wait3A_481 = arith.constant 0 : i32
        %dma_wait3A_482 = tpu.memref_slice %arg9[%scan3A_474, %dma_wait3A_481] : memref<128x128xi32, #tpu.memory_space<vmem>> -> memref<1x128xi32, #tpu.memory_space<vmem>>
        %dma_wait3A_483 = tpu.memref_squeeze %dma_wait3A_482 : memref<1x128xi32, #tpu.memory_space<vmem>> -> memref<128xi32, #tpu.memory_space<vmem>>
        %dma_wait3A_484 = arith.constant 0 : i32
        %dma_wait3A_485 = arith.constant 0 : i32
        %dma_wait3A_486 = tpu.memref_slice %arg2[%dma_wait3A_484, %dma_wait3A_485] : memref<10000x128xf32, #tpu.memory_space<hbm>> -> memref<10000x128xf32, #tpu.memory_space<hbm>>
        tpu.wait_indirect_dma semaphore(%arg13 : memref<!tpu.dma_semaphore, #tpu.memory_space<semaphore_mem>>) src(%dma_wait3A_486 : memref<10000x128xf32, #tpu.memory_space<hbm>>) dst(%arg11 : memref<128x128xf32, #tpu.memory_space<vmem>>)
        "tpu.region"() ({
          %run_scoped3A = tpu.sem_alloc : memref<!tpu.dma_semaphore, #tpu.memory_space<semaphore_mem>>
          %dma_start3A_487 = arith.constant 0 : i32
          %dma_start3A_488 = tpu.memref_slice %arg10[%scan3A_474, %dma_start3A_487] : memref<128x128xi32, #tpu.memory_space<vmem>> -> memref<1x128xi32, #tpu.memory_space<vmem>>
          %dma_start3A_489 = tpu.memref_squeeze %dma_start3A_488 : memref<1x128xi32, #tpu.memory_space<vmem>> -> memref<128xi32, #tpu.memory_space<vmem>>
          %dma_start3A_490 = arith.constant 0 : i32
          %dma_start3A_491 = arith.constant 0 : i32
          %dma_start3A_492 = tpu.memref_slice %arg12[%dma_start3A_490, %dma_start3A_491] : memref<10112x128xf32, #tpu.memory_space<vmem_shared>> -> memref<10112x128xf32, #tpu.memory_space<vmem_shared>>
          tpu.enqueue_indirect_dma source(%arg11 : memref<128x128xf32, #tpu.memory_space<vmem>>) target(%dma_start3A_492 : memref<10112x128xf32, #tpu.memory_space<vmem_shared>>) offsets(%dma_start3A_489 : memref<128xi32, #tpu.memory_space<vmem>>) semaphore(%run_scoped3A : memref<!tpu.dma_semaphore, #tpu.memory_space<semaphore_mem>>) {add = true}
          %dma_wait3A_493 = arith.constant 0 : i32
          %dma_wait3A_494 = tpu.memref_slice %arg10[%scan3A_474, %dma_wait3A_493] : memref<128x128xi32, #tpu.memory_space<vmem>> -> memref<1x128xi32, #tpu.memory_space<vmem>>
          %dma_wait3A_495 = tpu.memref_squeeze %dma_wait3A_494 : memref<1x128xi32, #tpu.memory_space<vmem>> -> memref<128xi32, #tpu.memory_space<vmem>>
          %dma_wait3A_496 = arith.constant 0 : i32
          %dma_wait3A_497 = arith.constant 0 : i32
          %dma_wait3A_498 = tpu.memref_slice %arg12[%dma_wait3A_496, %dma_wait3A_497] : memref<10112x128xf32, #tpu.memory_space<vmem_shared>> -> memref<10112x128xf32, #tpu.memory_space<vmem_shared>>
          tpu.wait_indirect_dma semaphore(%run_scoped3A : memref<!tpu.dma_semaphore, #tpu.memory_space<semaphore_mem>>) src(%arg11 : memref<128x128xf32, #tpu.memory_space<vmem>>) dst(%dma_wait3A_498 : memref<10112x128xf32, #tpu.memory_space<vmem_shared>>)
          tpu.yield
        }) : () -> ()
      }
      %scan3A_405 = arith.constant 128 : i32
      %dma_start3A_406 = arith.constant 1 : i32
      %dma_start3A_407 = arith.constant 0 : i32
      %dma_start3A_408 = tpu.memref_slice %arg8[%dma_start3A_406, %dma_start3A_407] : memref<3x128xi32, #tpu.memory_space<vmem>> -> memref<1x128xi32, #tpu.memory_space<vmem>>
      %dma_start3A_409 = tpu.memref_squeeze %dma_start3A_408 : memref<1x128xi32, #tpu.memory_space<vmem>> -> memref<128xi32, #tpu.memory_space<vmem>>
      %dma_start3A_410 = arith.constant 0 : i32
      %dma_start3A_411 = arith.constant 0 : i32
      %dma_start3A_412 = tpu.memref_slice %arg4[%dma_start3A_410, %dma_start3A_411] : memref<5120x128xi32, #tpu.memory_space<hbm>> -> memref<5120x128xi32, #tpu.memory_space<hbm>>
      tpu.enqueue_indirect_dma source(%dma_start3A_412 : memref<5120x128xi32, #tpu.memory_space<hbm>>) target(%arg9 : memref<128x128xi32, #tpu.memory_space<vmem>>) offsets(%dma_start3A_409 : memref<128xi32, #tpu.memory_space<vmem>>) semaphore(%arg13 : memref<!tpu.dma_semaphore, #tpu.memory_space<semaphore_mem>>)
      %dma_wait3A_413 = arith.constant 1 : i32
      %dma_wait3A_414 = arith.constant 0 : i32
      %dma_wait3A_415 = tpu.memref_slice %arg8[%dma_wait3A_413, %dma_wait3A_414] : memref<3x128xi32, #tpu.memory_space<vmem>> -> memref<1x128xi32, #tpu.memory_space<vmem>>
      %dma_wait3A_416 = tpu.memref_squeeze %dma_wait3A_415 : memref<1x128xi32, #tpu.memory_space<vmem>> -> memref<128xi32, #tpu.memory_space<vmem>>
      %dma_wait3A_417 = arith.constant 0 : i32
      %dma_wait3A_418 = arith.constant 0 : i32
      %dma_wait3A_419 = tpu.memref_slice %arg4[%dma_wait3A_417, %dma_wait3A_418] : memref<5120x128xi32, #tpu.memory_space<hbm>> -> memref<5120x128xi32, #tpu.memory_space<hbm>>
      tpu.wait_indirect_dma semaphore(%arg13 : memref<!tpu.dma_semaphore, #tpu.memory_space<semaphore_mem>>) src(%dma_wait3A_419 : memref<5120x128xi32, #tpu.memory_space<hbm>>) dst(%arg9 : memref<128x128xi32, #tpu.memory_space<vmem>>)
      %dma_start3A_420 = arith.constant 1 : i32
      %dma_start3A_421 = arith.constant 0 : i32
      %dma_start3A_422 = tpu.memref_slice %arg8[%dma_start3A_420, %dma_start3A_421] : memref<3x128xi32, #tpu.memory_space<vmem>> -> memref<1x128xi32, #tpu.memory_space<vmem>>
      %dma_start3A_423 = tpu.memref_squeeze %dma_start3A_422 : memref<1x128xi32, #tpu.memory_space<vmem>> -> memref<128xi32, #tpu.memory_space<vmem>>
      %dma_start3A_424 = arith.constant 0 : i32
      %dma_start3A_425 = arith.constant 0 : i32
      %dma_start3A_426 = tpu.memref_slice %arg5[%dma_start3A_424, %dma_start3A_425] : memref<5120x128xi32, #tpu.memory_space<hbm>> -> memref<5120x128xi32, #tpu.memory_space<hbm>>
      tpu.enqueue_indirect_dma source(%dma_start3A_426 : memref<5120x128xi32, #tpu.memory_space<hbm>>) target(%arg10 : memref<128x128xi32, #tpu.memory_space<vmem>>) offsets(%dma_start3A_423 : memref<128xi32, #tpu.memory_space<vmem>>) semaphore(%arg13 : memref<!tpu.dma_semaphore, #tpu.memory_space<semaphore_mem>>)
      %dma_wait3A_427 = arith.constant 1 : i32
      %dma_wait3A_428 = arith.constant 0 : i32
      %dma_wait3A_429 = tpu.memref_slice %arg8[%dma_wait3A_427, %dma_wait3A_428] : memref<3x128xi32, #tpu.memory_space<vmem>> -> memref<1x128xi32, #tpu.memory_space<vmem>>
      %dma_wait3A_430 = tpu.memref_squeeze %dma_wait3A_429 : memref<1x128xi32, #tpu.memory_space<vmem>> -> memref<128xi32, #tpu.memory_space<vmem>>
      %dma_wait3A_431 = arith.constant 0 : i32
      %dma_wait3A_432 = arith.constant 0 : i32
      %dma_wait3A_433 = tpu.memref_slice %arg5[%dma_wait3A_431, %dma_wait3A_432] : memref<5120x128xi32, #tpu.memory_space<hbm>> -> memref<5120x128xi32, #tpu.memory_space<hbm>>
      tpu.wait_indirect_dma semaphore(%arg13 : memref<!tpu.dma_semaphore, #tpu.memory_space<semaphore_mem>>) src(%dma_wait3A_433 : memref<5120x128xi32, #tpu.memory_space<hbm>>) dst(%arg10 : memref<128x128xi32, #tpu.memory_space<vmem>>)
      %scan3A_434 = arith.constant 0 : i32
      %scan3A_435 = arith.constant 0 : i32
      %scan3A_436 = arith.constant 128 : i32
      %scan3A_437 = arith.addi %scan3A_435, %scan3A_436 : i32
      %scan3A_438 = arith.constant 1 : i32
      scf.for %scan3A_474 = %scan3A_435 to %scan3A_437 step %scan3A_438  : i32 {
        %dma_start3A_475 = arith.constant 0 : i32
        %dma_start3A_476 = tpu.memref_slice %arg9[%scan3A_474, %dma_start3A_475] : memref<128x128xi32, #tpu.memory_space<vmem>> -> memref<1x128xi32, #tpu.memory_space<vmem>>
        %dma_start3A_477 = tpu.memref_squeeze %dma_start3A_476 : memref<1x128xi32, #tpu.memory_space<vmem>> -> memref<128xi32, #tpu.memory_space<vmem>>
        %dma_start3A_478 = arith.constant 0 : i32
        %dma_start3A_479 = arith.constant 0 : i32
        %dma_start3A_480 = tpu.memref_slice %arg2[%dma_start3A_478, %dma_start3A_479] : memref<10000x128xf32, #tpu.memory_space<hbm>> -> memref<10000x128xf32, #tpu.memory_space<hbm>>
        tpu.enqueue_indirect_dma source(%dma_start3A_480 : memref<10000x128xf32, #tpu.memory_space<hbm>>) target(%arg11 : memref<128x128xf32, #tpu.memory_space<vmem>>) offsets(%dma_start3A_477 : memref<128xi32, #tpu.memory_space<vmem>>) semaphore(%arg13 : memref<!tpu.dma_semaphore, #tpu.memory_space<semaphore_mem>>)
        %dma_wait3A_481 = arith.constant 0 : i32
        %dma_wait3A_482 = tpu.memref_slice %arg9[%scan3A_474, %dma_wait3A_481] : memref<128x128xi32, #tpu.memory_space<vmem>> -> memref<1x128xi32, #tpu.memory_space<vmem>>
        %dma_wait3A_483 = tpu.memref_squeeze %dma_wait3A_482 : memref<1x128xi32, #tpu.memory_space<vmem>> -> memref<128xi32, #tpu.memory_space<vmem>>
        %dma_wait3A_484 = arith.constant 0 : i32
        %dma_wait3A_485 = arith.constant 0 : i32
        %dma_wait3A_486 = tpu.memref_slice %arg2[%dma_wait3A_484, %dma_wait3A_485] : memref<10000x128xf32, #tpu.memory_space<hbm>> -> memref<10000x128xf32, #tpu.memory_space<hbm>>
        tpu.wait_indirect_dma semaphore(%arg13 : memref<!tpu.dma_semaphore, #tpu.memory_space<semaphore_mem>>) src(%dma_wait3A_486 : memref<10000x128xf32, #tpu.memory_space<hbm>>) dst(%arg11 : memref<128x128xf32, #tpu.memory_space<vmem>>)
        "tpu.region"() ({
          %run_scoped3A = tpu.sem_alloc : memref<!tpu.dma_semaphore, #tpu.memory_space<semaphore_mem>>
          %dma_start3A_487 = arith.constant 0 : i32
          %dma_start3A_488 = tpu.memref_slice %arg10[%scan3A_474, %dma_start3A_487] : memref<128x128xi32, #tpu.memory_space<vmem>> -> memref<1x128xi32, #tpu.memory_space<vmem>>
          %dma_start3A_489 = tpu.memref_squeeze %dma_start3A_488 : memref<1x128xi32, #tpu.memory_space<vmem>> -> memref<128xi32, #tpu.memory_space<vmem>>
          %dma_start3A_490 = arith.constant 0 : i32
          %dma_start3A_491 = arith.constant 0 : i32
          %dma_start3A_492 = tpu.memref_slice %arg12[%dma_start3A_490, %dma_start3A_491] : memref<10112x128xf32, #tpu.memory_space<vmem_shared>> -> memref<10112x128xf32, #tpu.memory_space<vmem_shared>>
          tpu.enqueue_indirect_dma source(%arg11 : memref<128x128xf32, #tpu.memory_space<vmem>>) target(%dma_start3A_492 : memref<10112x128xf32, #tpu.memory_space<vmem_shared>>) offsets(%dma_start3A_489 : memref<128xi32, #tpu.memory_space<vmem>>) semaphore(%run_scoped3A : memref<!tpu.dma_semaphore, #tpu.memory_space<semaphore_mem>>) {add = true}
          %dma_wait3A_493 = arith.constant 0 : i32
          %dma_wait3A_494 = tpu.memref_slice %arg10[%scan3A_474, %dma_wait3A_493] : memref<128x128xi32, #tpu.memory_space<vmem>> -> memref<1x128xi32, #tpu.memory_space<vmem>>
          %dma_wait3A_495 = tpu.memref_squeeze %dma_wait3A_494 : memref<1x128xi32, #tpu.memory_space<vmem>> -> memref<128xi32, #tpu.memory_space<vmem>>
          %dma_wait3A_496 = arith.constant 0 : i32
          %dma_wait3A_497 = arith.constant 0 : i32
          %dma_wait3A_498 = tpu.memref_slice %arg12[%dma_wait3A_496, %dma_wait3A_497] : memref<10112x128xf32, #tpu.memory_space<vmem_shared>> -> memref<10112x128xf32, #tpu.memory_space<vmem_shared>>
          tpu.wait_indirect_dma semaphore(%run_scoped3A : memref<!tpu.dma_semaphore, #tpu.memory_space<semaphore_mem>>) src(%arg11 : memref<128x128xf32, #tpu.memory_space<vmem>>) dst(%dma_wait3A_498 : memref<10112x128xf32, #tpu.memory_space<vmem_shared>>)
          tpu.yield
        }) : () -> ()
      }
      %scan3A_439 = arith.constant 128 : i32
      %dma_start3A_440 = arith.constant 2 : i32
      %dma_start3A_441 = arith.constant 0 : i32
      %dma_start3A_442 = tpu.memref_slice %arg8[%dma_start3A_440, %dma_start3A_441] : memref<3x128xi32, #tpu.memory_space<vmem>> -> memref<1x128xi32, #tpu.memory_space<vmem>>
      %dma_start3A_443 = tpu.memref_squeeze %dma_start3A_442 : memref<1x128xi32, #tpu.memory_space<vmem>> -> memref<128xi32, #tpu.memory_space<vmem>>
      %dma_start3A_444 = arith.constant 0 : i32
      %dma_start3A_445 = arith.constant 0 : i32
      %dma_start3A_446 = tpu.memref_slice %arg4[%dma_start3A_444, %dma_start3A_445] : memref<5120x128xi32, #tpu.memory_space<hbm>> -> memref<5120x128xi32, #tpu.memory_space<hbm>>
      tpu.enqueue_indirect_dma source(%dma_start3A_446 : memref<5120x128xi32, #tpu.memory_space<hbm>>) target(%arg9 : memref<128x128xi32, #tpu.memory_space<vmem>>) offsets(%dma_start3A_443 : memref<128xi32, #tpu.memory_space<vmem>>) semaphore(%arg13 : memref<!tpu.dma_semaphore, #tpu.memory_space<semaphore_mem>>)
      %dma_wait3A_447 = arith.constant 2 : i32
      %dma_wait3A_448 = arith.constant 0 : i32
      %dma_wait3A_449 = tpu.memref_slice %arg8[%dma_wait3A_447, %dma_wait3A_448] : memref<3x128xi32, #tpu.memory_space<vmem>> -> memref<1x128xi32, #tpu.memory_space<vmem>>
      %dma_wait3A_450 = tpu.memref_squeeze %dma_wait3A_449 : memref<1x128xi32, #tpu.memory_space<vmem>> -> memref<128xi32, #tpu.memory_space<vmem>>
      %dma_wait3A_451 = arith.constant 0 : i32
      %dma_wait3A_452 = arith.constant 0 : i32
      %dma_wait3A_453 = tpu.memref_slice %arg4[%dma_wait3A_451, %dma_wait3A_452] : memref<5120x128xi32, #tpu.memory_space<hbm>> -> memref<5120x128xi32, #tpu.memory_space<hbm>>
      tpu.wait_indirect_dma semaphore(%arg13 : memref<!tpu.dma_semaphore, #tpu.memory_space<semaphore_mem>>) src(%dma_wait3A_453 : memref<5120x128xi32, #tpu.memory_space<hbm>>) dst(%arg9 : memref<128x128xi32, #tpu.memory_space<vmem>>)
      %dma_start3A_454 = arith.constant 2 : i32
      %dma_start3A_455 = arith.constant 0 : i32
      %dma_start3A_456 = tpu.memref_slice %arg8[%dma_start3A_454, %dma_start3A_455] : memref<3x128xi32, #tpu.memory_space<vmem>> -> memref<1x128xi32, #tpu.memory_space<vmem>>
      %dma_start3A_457 = tpu.memref_squeeze %dma_start3A_456 : memref<1x128xi32, #tpu.memory_space<vmem>> -> memref<128xi32, #tpu.memory_space<vmem>>
      %dma_start3A_458 = arith.constant 0 : i32
      %dma_start3A_459 = arith.constant 0 : i32
      %dma_start3A_460 = tpu.memref_slice %arg5[%dma_start3A_458, %dma_start3A_459] : memref<5120x128xi32, #tpu.memory_space<hbm>> -> memref<5120x128xi32, #tpu.memory_space<hbm>>
      tpu.enqueue_indirect_dma source(%dma_start3A_460 : memref<5120x128xi32, #tpu.memory_space<hbm>>) target(%arg10 : memref<128x128xi32, #tpu.memory_space<vmem>>) offsets(%dma_start3A_457 : memref<128xi32, #tpu.memory_space<vmem>>) semaphore(%arg13 : memref<!tpu.dma_semaphore, #tpu.memory_space<semaphore_mem>>)
      %dma_wait3A_461 = arith.constant 2 : i32
      %dma_wait3A_462 = arith.constant 0 : i32
      %dma_wait3A_463 = tpu.memref_slice %arg8[%dma_wait3A_461, %dma_wait3A_462] : memref<3x128xi32, #tpu.memory_space<vmem>> -> memref<1x128xi32, #tpu.memory_space<vmem>>
      %dma_wait3A_464 = tpu.memref_squeeze %dma_wait3A_463 : memref<1x128xi32, #tpu.memory_space<vmem>> -> memref<128xi32, #tpu.memory_space<vmem>>
      %dma_wait3A_465 = arith.constant 0 : i32
      %dma_wait3A_466 = arith.constant 0 : i32
      %dma_wait3A_467 = tpu.memref_slice %arg5[%dma_wait3A_465, %dma_wait3A_466] : memref<5120x128xi32, #tpu.memory_space<hbm>> -> memref<5120x128xi32, #tpu.memory_space<hbm>>
      tpu.wait_indirect_dma semaphore(%arg13 : memref<!tpu.dma_semaphore, #tpu.memory_space<semaphore_mem>>) src(%dma_wait3A_467 : memref<5120x128xi32, #tpu.memory_space<hbm>>) dst(%arg10 : memref<128x128xi32, #tpu.memory_space<vmem>>)
      %scan3A_468 = arith.constant 0 : i32
      %scan3A_469 = arith.constant 0 : i32
      %scan3A_470 = arith.constant 64 : i32
      %scan3A_471 = arith.addi %scan3A_469, %scan3A_470 : i32
      %scan3A_472 = arith.constant 1 : i32
      scf.for %scan3A_474 = %scan3A_469 to %scan3A_471 step %scan3A_472  : i32 {
        %dma_start3A_475 = arith.constant 0 : i32
        %dma_start3A_476 = tpu.memref_slice %arg9[%scan3A_474, %dma_start3A_475] : memref<128x128xi32, #tpu.memory_space<vmem>> -> memref<1x128xi32, #tpu.memory_space<vmem>>
        %dma_start3A_477 = tpu.memref_squeeze %dma_start3A_476 : memref<1x128xi32, #tpu.memory_space<vmem>> -> memref<128xi32, #tpu.memory_space<vmem>>
        %dma_start3A_478 = arith.constant 0 : i32
        %dma_start3A_479 = arith.constant 0 : i32
        %dma_start3A_480 = tpu.memref_slice %arg2[%dma_start3A_478, %dma_start3A_479] : memref<10000x128xf32, #tpu.memory_space<hbm>> -> memref<10000x128xf32, #tpu.memory_space<hbm>>
        tpu.enqueue_indirect_dma source(%dma_start3A_480 : memref<10000x128xf32, #tpu.memory_space<hbm>>) target(%arg11 : memref<128x128xf32, #tpu.memory_space<vmem>>) offsets(%dma_start3A_477 : memref<128xi32, #tpu.memory_space<vmem>>) semaphore(%arg13 : memref<!tpu.dma_semaphore, #tpu.memory_space<semaphore_mem>>)
        %dma_wait3A_481 = arith.constant 0 : i32
        %dma_wait3A_482 = tpu.memref_slice %arg9[%scan3A_474, %dma_wait3A_481] : memref<128x128xi32, #tpu.memory_space<vmem>> -> memref<1x128xi32, #tpu.memory_space<vmem>>
        %dma_wait3A_483 = tpu.memref_squeeze %dma_wait3A_482 : memref<1x128xi32, #tpu.memory_space<vmem>> -> memref<128xi32, #tpu.memory_space<vmem>>
        %dma_wait3A_484 = arith.constant 0 : i32
        %dma_wait3A_485 = arith.constant 0 : i32
        %dma_wait3A_486 = tpu.memref_slice %arg2[%dma_wait3A_484, %dma_wait3A_485] : memref<10000x128xf32, #tpu.memory_space<hbm>> -> memref<10000x128xf32, #tpu.memory_space<hbm>>
        tpu.wait_indirect_dma semaphore(%arg13 : memref<!tpu.dma_semaphore, #tpu.memory_space<semaphore_mem>>) src(%dma_wait3A_486 : memref<10000x128xf32, #tpu.memory_space<hbm>>) dst(%arg11 : memref<128x128xf32, #tpu.memory_space<vmem>>)
        "tpu.region"() ({
          %run_scoped3A = tpu.sem_alloc : memref<!tpu.dma_semaphore, #tpu.memory_space<semaphore_mem>>
          %dma_start3A_487 = arith.constant 0 : i32
          %dma_start3A_488 = tpu.memref_slice %arg10[%scan3A_474, %dma_start3A_487] : memref<128x128xi32, #tpu.memory_space<vmem>> -> memref<1x128xi32, #tpu.memory_space<vmem>>
          %dma_start3A_489 = tpu.memref_squeeze %dma_start3A_488 : memref<1x128xi32, #tpu.memory_space<vmem>> -> memref<128xi32, #tpu.memory_space<vmem>>
          %dma_start3A_490 = arith.constant 0 : i32
          %dma_start3A_491 = arith.constant 0 : i32
          %dma_start3A_492 = tpu.memref_slice %arg12[%dma_start3A_490, %dma_start3A_491] : memref<10112x128xf32, #tpu.memory_space<vmem_shared>> -> memref<10112x128xf32, #tpu.memory_space<vmem_shared>>
          tpu.enqueue_indirect_dma source(%arg11 : memref<128x128xf32, #tpu.memory_space<vmem>>) target(%dma_start3A_492 : memref<10112x128xf32, #tpu.memory_space<vmem_shared>>) offsets(%dma_start3A_489 : memref<128xi32, #tpu.memory_space<vmem>>) semaphore(%run_scoped3A : memref<!tpu.dma_semaphore, #tpu.memory_space<semaphore_mem>>) {add = true}
          %dma_wait3A_493 = arith.constant 0 : i32
          %dma_wait3A_494 = tpu.memref_slice %arg10[%scan3A_474, %dma_wait3A_493] : memref<128x128xi32, #tpu.memory_space<vmem>> -> memref<1x128xi32, #tpu.memory_space<vmem>>
          %dma_wait3A_495 = tpu.memref_squeeze %dma_wait3A_494 : memref<1x128xi32, #tpu.memory_space<vmem>> -> memref<128xi32, #tpu.memory_space<vmem>>
          %dma_wait3A_496 = arith.constant 0 : i32
          %dma_wait3A_497 = arith.constant 0 : i32
          %dma_wait3A_498 = tpu.memref_slice %arg12[%dma_wait3A_496, %dma_wait3A_497] : memref<10112x128xf32, #tpu.memory_space<vmem_shared>> -> memref<10112x128xf32, #tpu.memory_space<vmem_shared>>
          tpu.wait_indirect_dma semaphore(%run_scoped3A : memref<!tpu.dma_semaphore, #tpu.memory_space<semaphore_mem>>) src(%arg11 : memref<128x128xf32, #tpu.memory_space<vmem>>) dst(%dma_wait3A_498 : memref<10112x128xf32, #tpu.memory_space<vmem_shared>>)
          tpu.yield
        }) : () -> ()
      }
      %scan3A_473 = arith.constant 64 : i32
    } else {
    }
    %eq3A_362 = arith.constant 1 : i32
    %eq3A_363 = arith.cmpi eq, %arg0, %eq3A_362 : i32
    %convert_element_type3A_364 = arith.extui %eq3A_363 : i1 to i32
    %cond3A_365 = arith.constant 0 : i32
    %cond3A_366 = arith.cmpi ne, %convert_element_type3A_364, %cond3A_365 : i32
    scf.if %cond3A_366 {
      %dma_start3A = arith.constant 0 : i32
      %dma_start3A_375 = arith.constant 0 : i32
      %dma_start3A_376 = tpu.memref_slice %arg8[%dma_start3A, %dma_start3A_375] : memref<3x128xi32, #tpu.memory_space<vmem>> -> memref<1x128xi32, #tpu.memory_space<vmem>>
      %dma_start3A_377 = tpu.memref_squeeze %dma_start3A_376 : memref<1x128xi32, #tpu.memory_space<vmem>> -> memref<128xi32, #tpu.memory_space<vmem>>
      %dma_start3A_378 = arith.constant 0 : i32
      %dma_start3A_379 = arith.constant 0 : i32
      %dma_start3A_380 = tpu.memref_slice %arg4[%dma_start3A_378, %dma_start3A_379] : memref<5120x128xi32, #tpu.memory_space<hbm>> -> memref<5120x128xi32, #tpu.memory_space<hbm>>
      tpu.enqueue_indirect_dma source(%dma_start3A_380 : memref<5120x128xi32, #tpu.memory_space<hbm>>) target(%arg9 : memref<128x128xi32, #tpu.memory_space<vmem>>) offsets(%dma_start3A_377 : memref<128xi32, #tpu.memory_space<vmem>>) semaphore(%arg13 : memref<!tpu.dma_semaphore, #tpu.memory_space<semaphore_mem>>)
      %dma_wait3A = arith.constant 0 : i32
      %dma_wait3A_381 = arith.constant 0 : i32
      %dma_wait3A_382 = tpu.memref_slice %arg8[%dma_wait3A, %dma_wait3A_381] : memref<3x128xi32, #tpu.memory_space<vmem>> -> memref<1x128xi32, #tpu.memory_space<vmem>>
      %dma_wait3A_383 = tpu.memref_squeeze %dma_wait3A_382 : memref<1x128xi32, #tpu.memory_space<vmem>> -> memref<128xi32, #tpu.memory_space<vmem>>
      %dma_wait3A_384 = arith.constant 0 : i32
      %dma_wait3A_385 = arith.constant 0 : i32
      %dma_wait3A_386 = tpu.memref_slice %arg4[%dma_wait3A_384, %dma_wait3A_385] : memref<5120x128xi32, #tpu.memory_space<hbm>> -> memref<5120x128xi32, #tpu.memory_space<hbm>>
      tpu.wait_indirect_dma semaphore(%arg13 : memref<!tpu.dma_semaphore, #tpu.memory_space<semaphore_mem>>) src(%dma_wait3A_386 : memref<5120x128xi32, #tpu.memory_space<hbm>>) dst(%arg9 : memref<128x128xi32, #tpu.memory_space<vmem>>)
      %dma_start3A_387 = arith.constant 0 : i32
      %dma_start3A_388 = arith.constant 0 : i32
      %dma_start3A_389 = tpu.memref_slice %arg8[%dma_start3A_387, %dma_start3A_388] : memref<3x128xi32, #tpu.memory_space<vmem>> -> memref<1x128xi32, #tpu.memory_space<vmem>>
      %dma_start3A_390 = tpu.memref_squeeze %dma_start3A_389 : memref<1x128xi32, #tpu.memory_space<vmem>> -> memref<128xi32, #tpu.memory_space<vmem>>
      %dma_start3A_391 = arith.constant 0 : i32
      %dma_start3A_392 = arith.constant 0 : i32
      %dma_start3A_393 = tpu.memref_slice %arg5[%dma_start3A_391, %dma_start3A_392] : memref<5120x128xi32, #tpu.memory_space<hbm>> -> memref<5120x128xi32, #tpu.memory_space<hbm>>
      tpu.enqueue_indirect_dma source(%dma_start3A_393 : memref<5120x128xi32, #tpu.memory_space<hbm>>) target(%arg10 : memref<128x128xi32, #tpu.memory_space<vmem>>) offsets(%dma_start3A_390 : memref<128xi32, #tpu.memory_space<vmem>>) semaphore(%arg13 : memref<!tpu.dma_semaphore, #tpu.memory_space<semaphore_mem>>)
      %dma_wait3A_394 = arith.constant 0 : i32
      %dma_wait3A_395 = arith.constant 0 : i32
      %dma_wait3A_396 = tpu.memref_slice %arg8[%dma_wait3A_394, %dma_wait3A_395] : memref<3x128xi32, #tpu.memory_space<vmem>> -> memref<1x128xi32, #tpu.memory_space<vmem>>
      %dma_wait3A_397 = tpu.memref_squeeze %dma_wait3A_396 : memref<1x128xi32, #tpu.memory_space<vmem>> -> memref<128xi32, #tpu.memory_space<vmem>>
      %dma_wait3A_398 = arith.constant 0 : i32
      %dma_wait3A_399 = arith.constant 0 : i32
      %dma_wait3A_400 = tpu.memref_slice %arg5[%dma_wait3A_398, %dma_wait3A_399] : memref<5120x128xi32, #tpu.memory_space<hbm>> -> memref<5120x128xi32, #tpu.memory_space<hbm>>
      tpu.wait_indirect_dma semaphore(%arg13 : memref<!tpu.dma_semaphore, #tpu.memory_space<semaphore_mem>>) src(%dma_wait3A_400 : memref<5120x128xi32, #tpu.memory_space<hbm>>) dst(%arg10 : memref<128x128xi32, #tpu.memory_space<vmem>>)
      %scan3A = arith.constant 0 : i32
      %scan3A_401 = arith.constant 0 : i32
      %scan3A_402 = arith.constant 128 : i32
      %scan3A_403 = arith.addi %scan3A_401, %scan3A_402 : i32
      %scan3A_404 = arith.constant 1 : i32
      scf.for %scan3A_474 = %scan3A_401 to %scan3A_403 step %scan3A_404  : i32 {
        %dma_start3A_475 = arith.constant 0 : i32
        %dma_start3A_476 = tpu.memref_slice %arg9[%scan3A_474, %dma_start3A_475] : memref<128x128xi32, #tpu.memory_space<vmem>> -> memref<1x128xi32, #tpu.memory_space<vmem>>
        %dma_start3A_477 = tpu.memref_squeeze %dma_start3A_476 : memref<1x128xi32, #tpu.memory_space<vmem>> -> memref<128xi32, #tpu.memory_space<vmem>>
        %dma_start3A_478 = arith.constant 0 : i32
        %dma_start3A_479 = arith.constant 0 : i32
        %dma_start3A_480 = tpu.memref_slice %arg3[%dma_start3A_478, %dma_start3A_479] : memref<10000x128xf32, #tpu.memory_space<hbm>> -> memref<10000x128xf32, #tpu.memory_space<hbm>>
        tpu.enqueue_indirect_dma source(%dma_start3A_480 : memref<10000x128xf32, #tpu.memory_space<hbm>>) target(%arg11 : memref<128x128xf32, #tpu.memory_space<vmem>>) offsets(%dma_start3A_477 : memref<128xi32, #tpu.memory_space<vmem>>) semaphore(%arg13 : memref<!tpu.dma_semaphore, #tpu.memory_space<semaphore_mem>>)
        %dma_wait3A_481 = arith.constant 0 : i32
        %dma_wait3A_482 = tpu.memref_slice %arg9[%scan3A_474, %dma_wait3A_481] : memref<128x128xi32, #tpu.memory_space<vmem>> -> memref<1x128xi32, #tpu.memory_space<vmem>>
        %dma_wait3A_483 = tpu.memref_squeeze %dma_wait3A_482 : memref<1x128xi32, #tpu.memory_space<vmem>> -> memref<128xi32, #tpu.memory_space<vmem>>
        %dma_wait3A_484 = arith.constant 0 : i32
        %dma_wait3A_485 = arith.constant 0 : i32
        %dma_wait3A_486 = tpu.memref_slice %arg3[%dma_wait3A_484, %dma_wait3A_485] : memref<10000x128xf32, #tpu.memory_space<hbm>> -> memref<10000x128xf32, #tpu.memory_space<hbm>>
        tpu.wait_indirect_dma semaphore(%arg13 : memref<!tpu.dma_semaphore, #tpu.memory_space<semaphore_mem>>) src(%dma_wait3A_486 : memref<10000x128xf32, #tpu.memory_space<hbm>>) dst(%arg11 : memref<128x128xf32, #tpu.memory_space<vmem>>)
        "tpu.region"() ({
          %run_scoped3A = tpu.sem_alloc : memref<!tpu.dma_semaphore, #tpu.memory_space<semaphore_mem>>
          %dma_start3A_487 = arith.constant 0 : i32
          %dma_start3A_488 = tpu.memref_slice %arg10[%scan3A_474, %dma_start3A_487] : memref<128x128xi32, #tpu.memory_space<vmem>> -> memref<1x128xi32, #tpu.memory_space<vmem>>
          %dma_start3A_489 = tpu.memref_squeeze %dma_start3A_488 : memref<1x128xi32, #tpu.memory_space<vmem>> -> memref<128xi32, #tpu.memory_space<vmem>>
          %dma_start3A_490 = arith.constant 0 : i32
          %dma_start3A_491 = arith.constant 0 : i32
          %dma_start3A_492 = tpu.memref_slice %arg12[%dma_start3A_490, %dma_start3A_491] : memref<10112x128xf32, #tpu.memory_space<vmem_shared>> -> memref<10112x128xf32, #tpu.memory_space<vmem_shared>>
          tpu.enqueue_indirect_dma source(%arg11 : memref<128x128xf32, #tpu.memory_space<vmem>>) target(%dma_start3A_492 : memref<10112x128xf32, #tpu.memory_space<vmem_shared>>) offsets(%dma_start3A_489 : memref<128xi32, #tpu.memory_space<vmem>>) semaphore(%run_scoped3A : memref<!tpu.dma_semaphore, #tpu.memory_space<semaphore_mem>>) {add = true}
          %dma_wait3A_493 = arith.constant 0 : i32
          %dma_wait3A_494 = tpu.memref_slice %arg10[%scan3A_474, %dma_wait3A_493] : memref<128x128xi32, #tpu.memory_space<vmem>> -> memref<1x128xi32, #tpu.memory_space<vmem>>
          %dma_wait3A_495 = tpu.memref_squeeze %dma_wait3A_494 : memref<1x128xi32, #tpu.memory_space<vmem>> -> memref<128xi32, #tpu.memory_space<vmem>>
          %dma_wait3A_496 = arith.constant 0 : i32
          %dma_wait3A_497 = arith.constant 0 : i32
          %dma_wait3A_498 = tpu.memref_slice %arg12[%dma_wait3A_496, %dma_wait3A_497] : memref<10112x128xf32, #tpu.memory_space<vmem_shared>> -> memref<10112x128xf32, #tpu.memory_space<vmem_shared>>
          tpu.wait_indirect_dma semaphore(%run_scoped3A : memref<!tpu.dma_semaphore, #tpu.memory_space<semaphore_mem>>) src(%arg11 : memref<128x128xf32, #tpu.memory_space<vmem>>) dst(%dma_wait3A_498 : memref<10112x128xf32, #tpu.memory_space<vmem_shared>>)
          tpu.yield
        }) : () -> ()
      }
      %scan3A_405 = arith.constant 128 : i32
      %dma_start3A_406 = arith.constant 1 : i32
      %dma_start3A_407 = arith.constant 0 : i32
      %dma_start3A_408 = tpu.memref_slice %arg8[%dma_start3A_406, %dma_start3A_407] : memref<3x128xi32, #tpu.memory_space<vmem>> -> memref<1x128xi32, #tpu.memory_space<vmem>>
      %dma_start3A_409 = tpu.memref_squeeze %dma_start3A_408 : memref<1x128xi32, #tpu.memory_space<vmem>> -> memref<128xi32, #tpu.memory_space<vmem>>
      %dma_start3A_410 = arith.constant 0 : i32
      %dma_start3A_411 = arith.constant 0 : i32
      %dma_start3A_412 = tpu.memref_slice %arg4[%dma_start3A_410, %dma_start3A_411] : memref<5120x128xi32, #tpu.memory_space<hbm>> -> memref<5120x128xi32, #tpu.memory_space<hbm>>
      tpu.enqueue_indirect_dma source(%dma_start3A_412 : memref<5120x128xi32, #tpu.memory_space<hbm>>) target(%arg9 : memref<128x128xi32, #tpu.memory_space<vmem>>) offsets(%dma_start3A_409 : memref<128xi32, #tpu.memory_space<vmem>>) semaphore(%arg13 : memref<!tpu.dma_semaphore, #tpu.memory_space<semaphore_mem>>)
      %dma_wait3A_413 = arith.constant 1 : i32
      %dma_wait3A_414 = arith.constant 0 : i32
      %dma_wait3A_415 = tpu.memref_slice %arg8[%dma_wait3A_413, %dma_wait3A_414] : memref<3x128xi32, #tpu.memory_space<vmem>> -> memref<1x128xi32, #tpu.memory_space<vmem>>
      %dma_wait3A_416 = tpu.memref_squeeze %dma_wait3A_415 : memref<1x128xi32, #tpu.memory_space<vmem>> -> memref<128xi32, #tpu.memory_space<vmem>>
      %dma_wait3A_417 = arith.constant 0 : i32
      %dma_wait3A_418 = arith.constant 0 : i32
      %dma_wait3A_419 = tpu.memref_slice %arg4[%dma_wait3A_417, %dma_wait3A_418] : memref<5120x128xi32, #tpu.memory_space<hbm>> -> memref<5120x128xi32, #tpu.memory_space<hbm>>
      tpu.wait_indirect_dma semaphore(%arg13 : memref<!tpu.dma_semaphore, #tpu.memory_space<semaphore_mem>>) src(%dma_wait3A_419 : memref<5120x128xi32, #tpu.memory_space<hbm>>) dst(%arg9 : memref<128x128xi32, #tpu.memory_space<vmem>>)
      %dma_start3A_420 = arith.constant 1 : i32
      %dma_start3A_421 = arith.constant 0 : i32
      %dma_start3A_422 = tpu.memref_slice %arg8[%dma_start3A_420, %dma_start3A_421] : memref<3x128xi32, #tpu.memory_space<vmem>> -> memref<1x128xi32, #tpu.memory_space<vmem>>
      %dma_start3A_423 = tpu.memref_squeeze %dma_start3A_422 : memref<1x128xi32, #tpu.memory_space<vmem>> -> memref<128xi32, #tpu.memory_space<vmem>>
      %dma_start3A_424 = arith.constant 0 : i32
      %dma_start3A_425 = arith.constant 0 : i32
      %dma_start3A_426 = tpu.memref_slice %arg5[%dma_start3A_424, %dma_start3A_425] : memref<5120x128xi32, #tpu.memory_space<hbm>> -> memref<5120x128xi32, #tpu.memory_space<hbm>>
      tpu.enqueue_indirect_dma source(%dma_start3A_426 : memref<5120x128xi32, #tpu.memory_space<hbm>>) target(%arg10 : memref<128x128xi32, #tpu.memory_space<vmem>>) offsets(%dma_start3A_423 : memref<128xi32, #tpu.memory_space<vmem>>) semaphore(%arg13 : memref<!tpu.dma_semaphore, #tpu.memory_space<semaphore_mem>>)
      %dma_wait3A_427 = arith.constant 1 : i32
      %dma_wait3A_428 = arith.constant 0 : i32
      %dma_wait3A_429 = tpu.memref_slice %arg8[%dma_wait3A_427, %dma_wait3A_428] : memref<3x128xi32, #tpu.memory_space<vmem>> -> memref<1x128xi32, #tpu.memory_space<vmem>>
      %dma_wait3A_430 = tpu.memref_squeeze %dma_wait3A_429 : memref<1x128xi32, #tpu.memory_space<vmem>> -> memref<128xi32, #tpu.memory_space<vmem>>
      %dma_wait3A_431 = arith.constant 0 : i32
      %dma_wait3A_432 = arith.constant 0 : i32
      %dma_wait3A_433 = tpu.memref_slice %arg5[%dma_wait3A_431, %dma_wait3A_432] : memref<5120x128xi32, #tpu.memory_space<hbm>> -> memref<5120x128xi32, #tpu.memory_space<hbm>>
      tpu.wait_indirect_dma semaphore(%arg13 : memref<!tpu.dma_semaphore, #tpu.memory_space<semaphore_mem>>) src(%dma_wait3A_433 : memref<5120x128xi32, #tpu.memory_space<hbm>>) dst(%arg10 : memref<128x128xi32, #tpu.memory_space<vmem>>)
      %scan3A_434 = arith.constant 0 : i32
      %scan3A_435 = arith.constant 0 : i32
      %scan3A_436 = arith.constant 128 : i32
      %scan3A_437 = arith.addi %scan3A_435, %scan3A_436 : i32
      %scan3A_438 = arith.constant 1 : i32
      scf.for %scan3A_474 = %scan3A_435 to %scan3A_437 step %scan3A_438  : i32 {
        %dma_start3A_475 = arith.constant 0 : i32
        %dma_start3A_476 = tpu.memref_slice %arg9[%scan3A_474, %dma_start3A_475] : memref<128x128xi32, #tpu.memory_space<vmem>> -> memref<1x128xi32, #tpu.memory_space<vmem>>
        %dma_start3A_477 = tpu.memref_squeeze %dma_start3A_476 : memref<1x128xi32, #tpu.memory_space<vmem>> -> memref<128xi32, #tpu.memory_space<vmem>>
        %dma_start3A_478 = arith.constant 0 : i32
        %dma_start3A_479 = arith.constant 0 : i32
        %dma_start3A_480 = tpu.memref_slice %arg3[%dma_start3A_478, %dma_start3A_479] : memref<10000x128xf32, #tpu.memory_space<hbm>> -> memref<10000x128xf32, #tpu.memory_space<hbm>>
        tpu.enqueue_indirect_dma source(%dma_start3A_480 : memref<10000x128xf32, #tpu.memory_space<hbm>>) target(%arg11 : memref<128x128xf32, #tpu.memory_space<vmem>>) offsets(%dma_start3A_477 : memref<128xi32, #tpu.memory_space<vmem>>) semaphore(%arg13 : memref<!tpu.dma_semaphore, #tpu.memory_space<semaphore_mem>>)
        %dma_wait3A_481 = arith.constant 0 : i32
        %dma_wait3A_482 = tpu.memref_slice %arg9[%scan3A_474, %dma_wait3A_481] : memref<128x128xi32, #tpu.memory_space<vmem>> -> memref<1x128xi32, #tpu.memory_space<vmem>>
        %dma_wait3A_483 = tpu.memref_squeeze %dma_wait3A_482 : memref<1x128xi32, #tpu.memory_space<vmem>> -> memref<128xi32, #tpu.memory_space<vmem>>
        %dma_wait3A_484 = arith.constant 0 : i32
        %dma_wait3A_485 = arith.constant 0 : i32
        %dma_wait3A_486 = tpu.memref_slice %arg3[%dma_wait3A_484, %dma_wait3A_485] : memref<10000x128xf32, #tpu.memory_space<hbm>> -> memref<10000x128xf32, #tpu.memory_space<hbm>>
        tpu.wait_indirect_dma semaphore(%arg13 : memref<!tpu.dma_semaphore, #tpu.memory_space<semaphore_mem>>) src(%dma_wait3A_486 : memref<10000x128xf32, #tpu.memory_space<hbm>>) dst(%arg11 : memref<128x128xf32, #tpu.memory_space<vmem>>)
        "tpu.region"() ({
          %run_scoped3A = tpu.sem_alloc : memref<!tpu.dma_semaphore, #tpu.memory_space<semaphore_mem>>
          %dma_start3A_487 = arith.constant 0 : i32
          %dma_start3A_488 = tpu.memref_slice %arg10[%scan3A_474, %dma_start3A_487] : memref<128x128xi32, #tpu.memory_space<vmem>> -> memref<1x128xi32, #tpu.memory_space<vmem>>
          %dma_start3A_489 = tpu.memref_squeeze %dma_start3A_488 : memref<1x128xi32, #tpu.memory_space<vmem>> -> memref<128xi32, #tpu.memory_space<vmem>>
          %dma_start3A_490 = arith.constant 0 : i32
          %dma_start3A_491 = arith.constant 0 : i32
          %dma_start3A_492 = tpu.memref_slice %arg12[%dma_start3A_490, %dma_start3A_491] : memref<10112x128xf32, #tpu.memory_space<vmem_shared>> -> memref<10112x128xf32, #tpu.memory_space<vmem_shared>>
          tpu.enqueue_indirect_dma source(%arg11 : memref<128x128xf32, #tpu.memory_space<vmem>>) target(%dma_start3A_492 : memref<10112x128xf32, #tpu.memory_space<vmem_shared>>) offsets(%dma_start3A_489 : memref<128xi32, #tpu.memory_space<vmem>>) semaphore(%run_scoped3A : memref<!tpu.dma_semaphore, #tpu.memory_space<semaphore_mem>>) {add = true}
          %dma_wait3A_493 = arith.constant 0 : i32
          %dma_wait3A_494 = tpu.memref_slice %arg10[%scan3A_474, %dma_wait3A_493] : memref<128x128xi32, #tpu.memory_space<vmem>> -> memref<1x128xi32, #tpu.memory_space<vmem>>
          %dma_wait3A_495 = tpu.memref_squeeze %dma_wait3A_494 : memref<1x128xi32, #tpu.memory_space<vmem>> -> memref<128xi32, #tpu.memory_space<vmem>>
          %dma_wait3A_496 = arith.constant 0 : i32
          %dma_wait3A_497 = arith.constant 0 : i32
          %dma_wait3A_498 = tpu.memref_slice %arg12[%dma_wait3A_496, %dma_wait3A_497] : memref<10112x128xf32, #tpu.memory_space<vmem_shared>> -> memref<10112x128xf32, #tpu.memory_space<vmem_shared>>
          tpu.wait_indirect_dma semaphore(%run_scoped3A : memref<!tpu.dma_semaphore, #tpu.memory_space<semaphore_mem>>) src(%arg11 : memref<128x128xf32, #tpu.memory_space<vmem>>) dst(%dma_wait3A_498 : memref<10112x128xf32, #tpu.memory_space<vmem_shared>>)
          tpu.yield
        }) : () -> ()
      }
      %scan3A_439 = arith.constant 128 : i32
      %dma_start3A_440 = arith.constant 2 : i32
      %dma_start3A_441 = arith.constant 0 : i32
      %dma_start3A_442 = tpu.memref_slice %arg8[%dma_start3A_440, %dma_start3A_441] : memref<3x128xi32, #tpu.memory_space<vmem>> -> memref<1x128xi32, #tpu.memory_space<vmem>>
      %dma_start3A_443 = tpu.memref_squeeze %dma_start3A_442 : memref<1x128xi32, #tpu.memory_space<vmem>> -> memref<128xi32, #tpu.memory_space<vmem>>
      %dma_start3A_444 = arith.constant 0 : i32
      %dma_start3A_445 = arith.constant 0 : i32
      %dma_start3A_446 = tpu.memref_slice %arg4[%dma_start3A_444, %dma_start3A_445] : memref<5120x128xi32, #tpu.memory_space<hbm>> -> memref<5120x128xi32, #tpu.memory_space<hbm>>
      tpu.enqueue_indirect_dma source(%dma_start3A_446 : memref<5120x128xi32, #tpu.memory_space<hbm>>) target(%arg9 : memref<128x128xi32, #tpu.memory_space<vmem>>) offsets(%dma_start3A_443 : memref<128xi32, #tpu.memory_space<vmem>>) semaphore(%arg13 : memref<!tpu.dma_semaphore, #tpu.memory_space<semaphore_mem>>)
      %dma_wait3A_447 = arith.constant 2 : i32
      %dma_wait3A_448 = arith.constant 0 : i32
      %dma_wait3A_449 = tpu.memref_slice %arg8[%dma_wait3A_447, %dma_wait3A_448] : memref<3x128xi32, #tpu.memory_space<vmem>> -> memref<1x128xi32, #tpu.memory_space<vmem>>
      %dma_wait3A_450 = tpu.memref_squeeze %dma_wait3A_449 : memref<1x128xi32, #tpu.memory_space<vmem>> -> memref<128xi32, #tpu.memory_space<vmem>>
      %dma_wait3A_451 = arith.constant 0 : i32
      %dma_wait3A_452 = arith.constant 0 : i32
      %dma_wait3A_453 = tpu.memref_slice %arg4[%dma_wait3A_451, %dma_wait3A_452] : memref<5120x128xi32, #tpu.memory_space<hbm>> -> memref<5120x128xi32, #tpu.memory_space<hbm>>
      tpu.wait_indirect_dma semaphore(%arg13 : memref<!tpu.dma_semaphore, #tpu.memory_space<semaphore_mem>>) src(%dma_wait3A_453 : memref<5120x128xi32, #tpu.memory_space<hbm>>) dst(%arg9 : memref<128x128xi32, #tpu.memory_space<vmem>>)
      %dma_start3A_454 = arith.constant 2 : i32
      %dma_start3A_455 = arith.constant 0 : i32
      %dma_start3A_456 = tpu.memref_slice %arg8[%dma_start3A_454, %dma_start3A_455] : memref<3x128xi32, #tpu.memory_space<vmem>> -> memref<1x128xi32, #tpu.memory_space<vmem>>
      %dma_start3A_457 = tpu.memref_squeeze %dma_start3A_456 : memref<1x128xi32, #tpu.memory_space<vmem>> -> memref<128xi32, #tpu.memory_space<vmem>>
      %dma_start3A_458 = arith.constant 0 : i32
      %dma_start3A_459 = arith.constant 0 : i32
      %dma_start3A_460 = tpu.memref_slice %arg5[%dma_start3A_458, %dma_start3A_459] : memref<5120x128xi32, #tpu.memory_space<hbm>> -> memref<5120x128xi32, #tpu.memory_space<hbm>>
      tpu.enqueue_indirect_dma source(%dma_start3A_460 : memref<5120x128xi32, #tpu.memory_space<hbm>>) target(%arg10 : memref<128x128xi32, #tpu.memory_space<vmem>>) offsets(%dma_start3A_457 : memref<128xi32, #tpu.memory_space<vmem>>) semaphore(%arg13 : memref<!tpu.dma_semaphore, #tpu.memory_space<semaphore_mem>>)
      %dma_wait3A_461 = arith.constant 2 : i32
      %dma_wait3A_462 = arith.constant 0 : i32
      %dma_wait3A_463 = tpu.memref_slice %arg8[%dma_wait3A_461, %dma_wait3A_462] : memref<3x128xi32, #tpu.memory_space<vmem>> -> memref<1x128xi32, #tpu.memory_space<vmem>>
      %dma_wait3A_464 = tpu.memref_squeeze %dma_wait3A_463 : memref<1x128xi32, #tpu.memory_space<vmem>> -> memref<128xi32, #tpu.memory_space<vmem>>
      %dma_wait3A_465 = arith.constant 0 : i32
      %dma_wait3A_466 = arith.constant 0 : i32
      %dma_wait3A_467 = tpu.memref_slice %arg5[%dma_wait3A_465, %dma_wait3A_466] : memref<5120x128xi32, #tpu.memory_space<hbm>> -> memref<5120x128xi32, #tpu.memory_space<hbm>>
      tpu.wait_indirect_dma semaphore(%arg13 : memref<!tpu.dma_semaphore, #tpu.memory_space<semaphore_mem>>) src(%dma_wait3A_467 : memref<5120x128xi32, #tpu.memory_space<hbm>>) dst(%arg10 : memref<128x128xi32, #tpu.memory_space<vmem>>)
      %scan3A_468 = arith.constant 0 : i32
      %scan3A_469 = arith.constant 0 : i32
      %scan3A_470 = arith.constant 64 : i32
      %scan3A_471 = arith.addi %scan3A_469, %scan3A_470 : i32
      %scan3A_472 = arith.constant 1 : i32
      scf.for %scan3A_474 = %scan3A_469 to %scan3A_471 step %scan3A_472  : i32 {
        %dma_start3A_475 = arith.constant 0 : i32
        %dma_start3A_476 = tpu.memref_slice %arg9[%scan3A_474, %dma_start3A_475] : memref<128x128xi32, #tpu.memory_space<vmem>> -> memref<1x128xi32, #tpu.memory_space<vmem>>
        %dma_start3A_477 = tpu.memref_squeeze %dma_start3A_476 : memref<1x128xi32, #tpu.memory_space<vmem>> -> memref<128xi32, #tpu.memory_space<vmem>>
        %dma_start3A_478 = arith.constant 0 : i32
        %dma_start3A_479 = arith.constant 0 : i32
        %dma_start3A_480 = tpu.memref_slice %arg3[%dma_start3A_478, %dma_start3A_479] : memref<10000x128xf32, #tpu.memory_space<hbm>> -> memref<10000x128xf32, #tpu.memory_space<hbm>>
        tpu.enqueue_indirect_dma source(%dma_start3A_480 : memref<10000x128xf32, #tpu.memory_space<hbm>>) target(%arg11 : memref<128x128xf32, #tpu.memory_space<vmem>>) offsets(%dma_start3A_477 : memref<128xi32, #tpu.memory_space<vmem>>) semaphore(%arg13 : memref<!tpu.dma_semaphore, #tpu.memory_space<semaphore_mem>>)
        %dma_wait3A_481 = arith.constant 0 : i32
        %dma_wait3A_482 = tpu.memref_slice %arg9[%scan3A_474, %dma_wait3A_481] : memref<128x128xi32, #tpu.memory_space<vmem>> -> memref<1x128xi32, #tpu.memory_space<vmem>>
        %dma_wait3A_483 = tpu.memref_squeeze %dma_wait3A_482 : memref<1x128xi32, #tpu.memory_space<vmem>> -> memref<128xi32, #tpu.memory_space<vmem>>
        %dma_wait3A_484 = arith.constant 0 : i32
        %dma_wait3A_485 = arith.constant 0 : i32
        %dma_wait3A_486 = tpu.memref_slice %arg3[%dma_wait3A_484, %dma_wait3A_485] : memref<10000x128xf32, #tpu.memory_space<hbm>> -> memref<10000x128xf32, #tpu.memory_space<hbm>>
        tpu.wait_indirect_dma semaphore(%arg13 : memref<!tpu.dma_semaphore, #tpu.memory_space<semaphore_mem>>) src(%dma_wait3A_486 : memref<10000x128xf32, #tpu.memory_space<hbm>>) dst(%arg11 : memref<128x128xf32, #tpu.memory_space<vmem>>)
        "tpu.region"() ({
          %run_scoped3A = tpu.sem_alloc : memref<!tpu.dma_semaphore, #tpu.memory_space<semaphore_mem>>
          %dma_start3A_487 = arith.constant 0 : i32
          %dma_start3A_488 = tpu.memref_slice %arg10[%scan3A_474, %dma_start3A_487] : memref<128x128xi32, #tpu.memory_space<vmem>> -> memref<1x128xi32, #tpu.memory_space<vmem>>
          %dma_start3A_489 = tpu.memref_squeeze %dma_start3A_488 : memref<1x128xi32, #tpu.memory_space<vmem>> -> memref<128xi32, #tpu.memory_space<vmem>>
          %dma_start3A_490 = arith.constant 0 : i32
          %dma_start3A_491 = arith.constant 0 : i32
          %dma_start3A_492 = tpu.memref_slice %arg12[%dma_start3A_490, %dma_start3A_491] : memref<10112x128xf32, #tpu.memory_space<vmem_shared>> -> memref<10112x128xf32, #tpu.memory_space<vmem_shared>>
          tpu.enqueue_indirect_dma source(%arg11 : memref<128x128xf32, #tpu.memory_space<vmem>>) target(%dma_start3A_492 : memref<10112x128xf32, #tpu.memory_space<vmem_shared>>) offsets(%dma_start3A_489 : memref<128xi32, #tpu.memory_space<vmem>>) semaphore(%run_scoped3A : memref<!tpu.dma_semaphore, #tpu.memory_space<semaphore_mem>>) {add = true}
          %dma_wait3A_493 = arith.constant 0 : i32
          %dma_wait3A_494 = tpu.memref_slice %arg10[%scan3A_474, %dma_wait3A_493] : memref<128x128xi32, #tpu.memory_space<vmem>> -> memref<1x128xi32, #tpu.memory_space<vmem>>
          %dma_wait3A_495 = tpu.memref_squeeze %dma_wait3A_494 : memref<1x128xi32, #tpu.memory_space<vmem>> -> memref<128xi32, #tpu.memory_space<vmem>>
          %dma_wait3A_496 = arith.constant 0 : i32
          %dma_wait3A_497 = arith.constant 0 : i32
          %dma_wait3A_498 = tpu.memref_slice %arg12[%dma_wait3A_496, %dma_wait3A_497] : memref<10112x128xf32, #tpu.memory_space<vmem_shared>> -> memref<10112x128xf32, #tpu.memory_space<vmem_shared>>
          tpu.wait_indirect_dma semaphore(%run_scoped3A : memref<!tpu.dma_semaphore, #tpu.memory_space<semaphore_mem>>) src(%arg11 : memref<128x128xf32, #tpu.memory_space<vmem>>) dst(%dma_wait3A_498 : memref<10112x128xf32, #tpu.memory_space<vmem_shared>>)
          tpu.yield
        }) : () -> ()
      }
      %scan3A_473 = arith.constant 64 : i32
    } else {
    }
    %barrier3A_367 = arith.constant 0 : index
    tpu.barrier barrier_id(%barrier3A_367)
    %mul3A_368 = arith.constant 632 : i32
    %mul3A_369 = arith.muli %arg1, %mul3A_368 : i32
    %mul3A_370 = arith.constant 10112 : i32
    %mul3A_371 = arith.muli %arg0, %mul3A_370 : i32
    %mul3A_372 = arith.constant 632 : i32
    %mul3A_373 = arith.muli %arg1, %mul3A_372 : i32
    %add3A_374 = arith.addi %mul3A_371, %mul3A_373 : i32
    "tpu.region"() ({
      %run_scoped3A = tpu.sem_alloc : memref<!tpu.dma_semaphore, #tpu.memory_space<semaphore_mem>>
      %dma_start3A = arith.constant 0 : i32
      %dma_start3A_375 = tpu.memref_slice %arg7[%add3A_374, %dma_start3A] : memref<20224x128xf32, #tpu.memory_space<hbm>> -> memref<632x128xf32, #tpu.memory_space<hbm>>
      %dma_start3A_376 = arith.constant 0 : i32
      %dma_start3A_377 = tpu.memref_slice %arg12[%mul3A_369, %dma_start3A_376] : memref<10112x128xf32, #tpu.memory_space<vmem_shared>> -> memref<632x128xf32, #tpu.memory_space<vmem_shared>>
      tpu.enqueue_dma source(%dma_start3A_377 : memref<632x128xf32, #tpu.memory_space<vmem_shared>>) target(%dma_start3A_375 : memref<632x128xf32, #tpu.memory_space<hbm>>) target_semaphore(%run_scoped3A : memref<!tpu.dma_semaphore, #tpu.memory_space<semaphore_mem>>)
      %dma_wait3A = arith.constant 0 : i32
      %dma_wait3A_378 = tpu.memref_slice %arg7[%add3A_374, %dma_wait3A] : memref<20224x128xf32, #tpu.memory_space<hbm>> -> memref<632x128xf32, #tpu.memory_space<hbm>>
      %dma_wait3A_379 = arith.constant 0 : i32
      %dma_wait3A_380 = tpu.memref_slice %arg12[%mul3A_369, %dma_wait3A_379] : memref<10112x128xf32, #tpu.memory_space<vmem_shared>> -> memref<632x128xf32, #tpu.memory_space<vmem_shared>>
      tpu.wait_dma2 semaphore(%run_scoped3A : memref<!tpu.dma_semaphore, #tpu.memory_space<semaphore_mem>>) src(%dma_wait3A_380 : memref<632x128xf32, #tpu.memory_space<vmem_shared>>) dst(%dma_wait3A_378 : memref<632x128xf32, #tpu.memory_space<hbm>>)
      tpu.yield
    }) : () -> ()
    return
  }
}

module attributes {stable_mosaic.version = 14 : i64} {
  func.func @_ka(%arg0: i32, %arg1: memref<1000x32xf32, #tpu.memory_space<vmem>>, %arg2: memref<32x128xf32, #tpu.memory_space<vmem>>, %arg3: memref<1x128xf32, #tpu.memory_space<vmem>>, %arg4: memref<1x1xf32, #tpu.memory_space<vmem>>, %arg5: memref<1000x128xf32, #tpu.memory_space<vmem>>, %arg6: memref<8x128xf32, #tpu.memory_space<vmem>>) attributes {dimension_semantics = [#tpu.dimension_semantics<arbitrary>], iteration_bounds = array<i64: 10>, scalar_prefetch = 0 : i64, scratch_operands = 0 : i64, tpu.core_type = #tpu.core_type<tc>, window_params = [{transform_indices = @transform_0, window_bounds = array<i64: 1000, 32>}, {pipeline_mode = #tpu.pipeline_mode<synchronous>, transform_indices = @transform_1, window_bounds = array<i64: 32, 128>}, {pipeline_mode = #tpu.pipeline_mode<synchronous>, transform_indices = @transform_2, window_bounds = array<i64: 1, 128>}, {pipeline_mode = #tpu.pipeline_mode<synchronous>, transform_indices = @transform_3, window_bounds = array<i64: 1, 1>}, {transform_indices = @transform_4, window_bounds = array<i64: 1000, 128>}, {pipeline_mode = #tpu.pipeline_mode<synchronous>, transform_indices = @transform_5, window_bounds = array<i64: 8, 128>}]} {
    %get3A = arith.constant 0 : index
    %get3A_0 = arith.constant 0 : index
    %get3A_1 = vector.load %arg1[%get3A, %get3A_0] : memref<1000x32xf32, #tpu.memory_space<vmem>>, vector<1000x32xf32>
    %get3A_2 = arith.constant 0 : index
    %get3A_3 = arith.constant 0 : index
    %get3A_4 = vector.load %arg2[%get3A_2, %get3A_3] : memref<32x128xf32, #tpu.memory_space<vmem>>, vector<32x128xf32>
    %dot_general3A = arith.constant dense<0.000000e+00> : vector<1000x128xf32>
    %dot_general3A_5 = tpu.matmul %get3A_1, %get3A_4, %dot_general3A {dimension_numbers = #tpu.dot_dimension_numbers<[1], [0], [0], [1], [0, 0, 1, 1], [], []>, transpose_lhs_hint = false} : vector<1000x32xf32>, vector<32x128xf32>, vector<1000x128xf32> -> vector<1000x128xf32>
    %get3A_6 = arith.constant 0 : index
    %get3A_7 = arith.constant 0 : index
    %get3A_8 = vector.load %arg3[%get3A_6, %get3A_7] : memref<1x128xf32, #tpu.memory_space<vmem>>, vector<1x128xf32>
    %add3A = vector.broadcast %get3A_8 : vector<1x128xf32> to vector<1000x128xf32>
    %add3A_9 = arith.addf %dot_general3A_5, %add3A : vector<1000x128xf32>
    %max3A = arith.constant 0.000000e+00 : f32
    %max3A_10 = vector.broadcast %max3A : f32 to vector<1000x128xf32>
    %max3A_11 = arith.maximumf %add3A_9, %max3A_10 : vector<1000x128xf32>
    %add3A_12 = arith.constant 1.000000e-07 : f32
    %add3A_13 = vector.broadcast %add3A_12 : f32 to vector<1000x128xf32>
    %add3A_14 = arith.addf %max3A_11, %add3A_13 : vector<1000x128xf32>
    %swap3A = arith.constant 0 : index
    %swap3A_15 = arith.constant 0 : index
    %swap3A_16 = vector.load %arg5[%swap3A, %swap3A_15] : memref<1000x128xf32, #tpu.memory_space<vmem>>, vector<1000x128xf32>
    tpu.vector_store %arg5[%swap3A, %swap3A_15], %add3A_14 {strides = array<i32>} : memref<1000x128xf32, #tpu.memory_space<vmem>>, vector<1000x128xf32>,
    %get3A_17 = arith.constant 0 : index
    %get3A_18 = arith.constant 0 : index
    %get3A_19 = vector.load %arg4[%get3A_17, %get3A_18] : memref<1x1xf32, #tpu.memory_space<vmem>>, vector<1x1xf32>
    %get3A_20 = vector.extract %get3A_19[0, 0] : f32 from vector<1x1xf32>
    %mul3A = vector.broadcast %get3A_20 : f32 to vector<1000x128xf32>
    %mul3A_21 = arith.mulf %add3A_14, %mul3A : vector<1000x128xf32>
    %reduce_max3A = arith.constant dense<0xFF800000> : vector<128xf32>
    %reduce_max3A_22 = vector.multi_reduction <maximumf>, %mul3A_21, %reduce_max3A [0] : vector<1000x128xf32> to vector<128xf32>
    %broadcast_in_dim3A = vector.shape_cast %reduce_max3A_22 : vector<128xf32> to vector<1x128xf32>
    %broadcast_in_dim3A_23 = vector.shape_cast %broadcast_in_dim3A : vector<1x128xf32> to vector<1x128xf32>
    %broadcast_in_dim3A_24 = vector.broadcast %broadcast_in_dim3A_23 : vector<1x128xf32> to vector<8x128xf32>
    %eq3A = arith.constant 0 : i32
    %eq3A_25 = arith.cmpi eq, %arg0, %eq3A : i32
    %convert_element_type3A = arith.extui %eq3A_25 : i1 to i32
    %cond3A = arith.constant 0 : i32
    %cond3A_26 = arith.cmpi ne, %convert_element_type3A, %cond3A : i32
    scf.if %cond3A_26 {
      %swap3A_31 = arith.constant 0 : index
      %swap3A_32 = arith.constant 0 : index
      %swap3A_33 = vector.load %arg6[%swap3A_31, %swap3A_32] : memref<8x128xf32, #tpu.memory_space<vmem>>, vector<8x128xf32>
      tpu.vector_store %arg6[%swap3A_31, %swap3A_32], %broadcast_in_dim3A_24 {strides = array<i32>} : memref<8x128xf32, #tpu.memory_space<vmem>>, vector<8x128xf32>,
    } else {
    }
    %ne3A = arith.constant 0 : i32
    %ne3A_27 = arith.cmpi ne, %arg0, %ne3A : i32
    %convert_element_type3A_28 = arith.extui %ne3A_27 : i1 to i32
    %cond3A_29 = arith.constant 0 : i32
    %cond3A_30 = arith.cmpi ne, %convert_element_type3A_28, %cond3A_29 : i32
    scf.if %cond3A_30 {
      %get3A_31 = arith.constant 0 : index
      %get3A_32 = arith.constant 0 : index
      %get3A_33 = vector.load %arg6[%get3A_31, %get3A_32] : memref<8x128xf32, #tpu.memory_space<vmem>>, vector<8x128xf32>
      %max3A_34 = arith.maximumf %get3A_33, %broadcast_in_dim3A_24 : vector<8x128xf32>
      %swap3A_35 = arith.constant 0 : index
      %swap3A_36 = arith.constant 0 : index
      %swap3A_37 = vector.load %arg6[%swap3A_35, %swap3A_36] : memref<8x128xf32, #tpu.memory_space<vmem>>, vector<8x128xf32>
      tpu.vector_store %arg6[%swap3A_35, %swap3A_36], %max3A_34 {strides = array<i32>} : memref<8x128xf32, #tpu.memory_space<vmem>>, vector<8x128xf32>,
    } else {
    }
    return
  }
  func.func @transform_0(%arg0: i32) -> (i32, i32) {
    %c0_i32 = arith.constant 0 : i32
    %c0_i32_0 = arith.constant 0 : i32
    return %arg0, %c0_i32 : i32, i32
  }
  func.func @transform_1(%arg0: i32) -> (i32, i32) {
    %c0_i32 = arith.constant 0 : i32
    %c0_i32_0 = arith.constant 0 : i32
    %c0_i32_1 = arith.constant 0 : i32
    return %c0_i32, %c0_i32_0 : i32, i32
  }
  func.func @transform_2(%arg0: i32) -> (i32, i32) {
    %c0_i32 = arith.constant 0 : i32
    %c0_i32_0 = arith.constant 0 : i32
    %c0_i32_1 = arith.constant 0 : i32
    return %c0_i32, %c0_i32_0 : i32, i32
  }
  func.func @transform_3(%arg0: i32) -> (i32, i32) {
    %c0_i32 = arith.constant 0 : i32
    %c0_i32_0 = arith.constant 0 : i32
    %c0_i32_1 = arith.constant 0 : i32
    return %c0_i32, %c0_i32_0 : i32, i32
  }
  func.func @transform_4(%arg0: i32) -> (i32, i32) {
    %c0_i32 = arith.constant 0 : i32
    %c0_i32_0 = arith.constant 0 : i32
    return %arg0, %c0_i32 : i32, i32
  }
  func.func @transform_5(%arg0: i32) -> (i32, i32) {
    %c0_i32 = arith.constant 0 : i32
    %c0_i32_0 = arith.constant 0 : i32
    %c0_i32_1 = arith.constant 0 : i32
    return %c0_i32, %c0_i32_0 : i32, i32
  }
}

module attributes {stable_mosaic.version = 14 : i64} {
  func.func @_kb(%arg0: i32, %arg1: memref<1000x128xf32, #tpu.memory_space<vmem>>, %arg2: memref<8x128xf32, #tpu.memory_space<vmem>>, %arg3: memref<1x1xf32, #tpu.memory_space<vmem>>, %arg4: memref<1000x32xf32, #tpu.memory_space<vmem>>, %arg5: memref<32x128xf32, #tpu.memory_space<vmem>>, %arg6: memref<1x128xf32, #tpu.memory_space<vmem>>, %arg7: memref<1000x128xf32, #tpu.memory_space<vmem>>, %arg8: memref<1000x128xf32, #tpu.memory_space<vmem>>, %arg9: memref<1000x128xf32, #tpu.memory_space<vmem>>) attributes {dimension_semantics = [#tpu.dimension_semantics<arbitrary>], iteration_bounds = array<i64: 10>, scalar_prefetch = 0 : i64, scratch_operands = 0 : i64, tpu.core_type = #tpu.core_type<tc>, window_params = [{transform_indices = @transform_0, window_bounds = array<i64: 1000, 128>}, {pipeline_mode = #tpu.pipeline_mode<synchronous>, transform_indices = @transform_1, window_bounds = array<i64: 8, 128>}, {pipeline_mode = #tpu.pipeline_mode<synchronous>, transform_indices = @transform_2, window_bounds = array<i64: 1, 1>}, {transform_indices = @transform_3, window_bounds = array<i64: 1000, 32>}, {pipeline_mode = #tpu.pipeline_mode<synchronous>, transform_indices = @transform_4, window_bounds = array<i64: 32, 128>}, {pipeline_mode = #tpu.pipeline_mode<synchronous>, transform_indices = @transform_5, window_bounds = array<i64: 1, 128>}, {transform_indices = @transform_6, window_bounds = array<i64: 1000, 128>}, {transform_indices = @transform_7, window_bounds = array<i64: 1000, 128>}, {transform_indices = @transform_8, window_bounds = array<i64: 1000, 128>}]} {
    %get3A = arith.constant 0 : index
    %get3A_0 = arith.constant 0 : index
    %get3A_1 = vector.load %arg2[%get3A, %get3A_0] : memref<8x128xf32, #tpu.memory_space<vmem>>, vector<8x128xf32>
    %reduce_max3A = arith.constant dense<0xFF800000> : vector<128xf32>
    %reduce_max3A_2 = vector.multi_reduction <maximumf>, %get3A_1, %reduce_max3A [0] : vector<8x128xf32> to vector<128xf32>
    %broadcast_in_dim3A = vector.shape_cast %reduce_max3A_2 : vector<128xf32> to vector<1x128xf32>
    %get3A_3 = arith.constant 0 : index
    %get3A_4 = arith.constant 0 : index
    %get3A_5 = vector.load %arg1[%get3A_3, %get3A_4] : memref<1000x128xf32, #tpu.memory_space<vmem>>, vector<1000x128xf32>
    %get3A_6 = arith.constant 0 : index
    %get3A_7 = arith.constant 0 : index
    %get3A_8 = vector.load %arg3[%get3A_6, %get3A_7] : memref<1x1xf32, #tpu.memory_space<vmem>>, vector<1x1xf32>
    %get3A_9 = vector.extract %get3A_8[0, 0] : f32 from vector<1x1xf32>
    %mul3A = vector.broadcast %get3A_9 : f32 to vector<1000x128xf32>
    %mul3A_10 = arith.mulf %get3A_5, %mul3A : vector<1000x128xf32>
    %sub3A = vector.broadcast %broadcast_in_dim3A : vector<1x128xf32> to vector<1000x128xf32>
    %sub3A_11 = arith.subf %mul3A_10, %sub3A : vector<1000x128xf32>
    %exp3A = math.exp %sub3A_11 : vector<1000x128xf32>
    %swap3A = arith.constant 0 : index
    %swap3A_12 = arith.constant 0 : index
    %swap3A_13 = vector.load %arg7[%swap3A, %swap3A_12] : memref<1000x128xf32, #tpu.memory_space<vmem>>, vector<1000x128xf32>
    tpu.vector_store %arg7[%swap3A, %swap3A_12], %exp3A {strides = array<i32>} : memref<1000x128xf32, #tpu.memory_space<vmem>>, vector<1000x128xf32>,
    %mul3A_14 = arith.mulf %exp3A, %get3A_5 : vector<1000x128xf32>
    %swap3A_15 = arith.constant 0 : index
    %swap3A_16 = arith.constant 0 : index
    %swap3A_17 = vector.load %arg8[%swap3A_15, %swap3A_16] : memref<1000x128xf32, #tpu.memory_space<vmem>>, vector<1000x128xf32>
    tpu.vector_store %arg8[%swap3A_15, %swap3A_16], %mul3A_14 {strides = array<i32>} : memref<1000x128xf32, #tpu.memory_space<vmem>>, vector<1000x128xf32>,
    %get3A_18 = arith.constant 0 : index
    %get3A_19 = arith.constant 0 : index
    %get3A_20 = vector.load %arg4[%get3A_18, %get3A_19] : memref<1000x32xf32, #tpu.memory_space<vmem>>, vector<1000x32xf32>
    %get3A_21 = arith.constant 0 : index
    %get3A_22 = arith.constant 0 : index
    %get3A_23 = vector.load %arg5[%get3A_21, %get3A_22] : memref<32x128xf32, #tpu.memory_space<vmem>>, vector<32x128xf32>
    %dot_general3A = arith.constant dense<0.000000e+00> : vector<1000x128xf32>
    %dot_general3A_24 = tpu.matmul %get3A_20, %get3A_23, %dot_general3A {dimension_numbers = #tpu.dot_dimension_numbers<[1], [0], [0], [1], [0, 0, 1, 1], [], []>, transpose_lhs_hint = false} : vector<1000x32xf32>, vector<32x128xf32>, vector<1000x128xf32> -> vector<1000x128xf32>
    %get3A_25 = arith.constant 0 : index
    %get3A_26 = arith.constant 0 : index
    %get3A_27 = vector.load %arg6[%get3A_25, %get3A_26] : memref<1x128xf32, #tpu.memory_space<vmem>>, vector<1x128xf32>
    %add3A = vector.broadcast %get3A_27 : vector<1x128xf32> to vector<1000x128xf32>
    %add3A_28 = arith.addf %dot_general3A_24, %add3A : vector<1000x128xf32>
    %swap3A_29 = arith.constant 0 : index
    %swap3A_30 = arith.constant 0 : index
    %swap3A_31 = vector.load %arg9[%swap3A_29, %swap3A_30] : memref<1000x128xf32, #tpu.memory_space<vmem>>, vector<1000x128xf32>
    tpu.vector_store %arg9[%swap3A_29, %swap3A_30], %add3A_28 {strides = array<i32>} : memref<1000x128xf32, #tpu.memory_space<vmem>>, vector<1000x128xf32>,
    return
  }
  func.func @transform_0(%arg0: i32) -> (i32, i32) {
    %c0_i32 = arith.constant 0 : i32
    %c0_i32_0 = arith.constant 0 : i32
    return %arg0, %c0_i32 : i32, i32
  }
  func.func @transform_1(%arg0: i32) -> (i32, i32) {
    %c0_i32 = arith.constant 0 : i32
    %c0_i32_0 = arith.constant 0 : i32
    %c0_i32_1 = arith.constant 0 : i32
    return %c0_i32, %c0_i32_0 : i32, i32
  }
  func.func @transform_2(%arg0: i32) -> (i32, i32) {
    %c0_i32 = arith.constant 0 : i32
    %c0_i32_0 = arith.constant 0 : i32
    %c0_i32_1 = arith.constant 0 : i32
    return %c0_i32, %c0_i32_0 : i32, i32
  }
  func.func @transform_3(%arg0: i32) -> (i32, i32) {
    %c0_i32 = arith.constant 0 : i32
    %c0_i32_0 = arith.constant 0 : i32
    return %arg0, %c0_i32 : i32, i32
  }
  func.func @transform_4(%arg0: i32) -> (i32, i32) {
    %c0_i32 = arith.constant 0 : i32
    %c0_i32_0 = arith.constant 0 : i32
    %c0_i32_1 = arith.constant 0 : i32
    return %c0_i32, %c0_i32_0 : i32, i32
  }
  func.func @transform_5(%arg0: i32) -> (i32, i32) {
    %c0_i32 = arith.constant 0 : i32
    %c0_i32_0 = arith.constant 0 : i32
    %c0_i32_1 = arith.constant 0 : i32
    return %c0_i32, %c0_i32_0 : i32, i32
  }
  func.func @transform_6(%arg0: i32) -> (i32, i32) {
    %c0_i32 = arith.constant 0 : i32
    %c0_i32_0 = arith.constant 0 : i32
    return %arg0, %c0_i32 : i32, i32
  }
  func.func @transform_7(%arg0: i32) -> (i32, i32) {
    %c0_i32 = arith.constant 0 : i32
    %c0_i32_0 = arith.constant 0 : i32
    return %arg0, %c0_i32 : i32, i32
  }
  func.func @transform_8(%arg0: i32) -> (i32, i32) {
    %c0_i32 = arith.constant 0 : i32
    %c0_i32_0 = arith.constant 0 : i32
    return %arg0, %c0_i32 : i32, i32
  }
}

module attributes {stable_mosaic.version = 14 : i64} {
  func.func @_kc(%arg0: i32, %arg1: memref<1000x128xf32, #tpu.memory_space<vmem>>, %arg2: memref<1000x128xf32, #tpu.memory_space<vmem>>, %arg3: memref<1000x128xf32, #tpu.memory_space<vmem>>, %arg4: memref<128x256xf32, #tpu.memory_space<vmem>>, %arg5: memref<1x256xf32, #tpu.memory_space<vmem>>, %arg6: memref<1x256xf32, #tpu.memory_space<vmem>>, %arg7: memref<1x256xf32, #tpu.memory_space<vmem>>, %arg8: memref<256x128xf32, #tpu.memory_space<vmem>>, %arg9: memref<1x128xf32, #tpu.memory_space<vmem>>, %arg10: memref<1x128xf32, #tpu.memory_space<vmem>>, %arg11: memref<1x128xf32, #tpu.memory_space<vmem>>, %arg12: memref<10x1000xi32, #tpu.memory_space<smem>>, %arg13: memref<1x1000x1xi32, #tpu.memory_space<vmem>>, %arg14: memref<128x128xf32, #tpu.memory_space<vmem>>) attributes {dimension_semantics = [#tpu.dimension_semantics<arbitrary>], iteration_bounds = array<i64: 10>, scalar_prefetch = 0 : i64, scratch_operands = 0 : i64, tpu.core_type = #tpu.core_type<tc>, window_params = [{transform_indices = @transform_0, window_bounds = array<i64: 1000, 128>}, {transform_indices = @transform_1, window_bounds = array<i64: 1000, 128>}, {transform_indices = @transform_2, window_bounds = array<i64: 1000, 128>}, {pipeline_mode = #tpu.pipeline_mode<synchronous>, transform_indices = @transform_3, window_bounds = array<i64: 128, 256>}, {pipeline_mode = #tpu.pipeline_mode<synchronous>, transform_indices = @transform_4, window_bounds = array<i64: 1, 256>}, {pipeline_mode = #tpu.pipeline_mode<synchronous>, transform_indices = @transform_5, window_bounds = array<i64: 1, 256>}, {pipeline_mode = #tpu.pipeline_mode<synchronous>, transform_indices = @transform_6, window_bounds = array<i64: 1, 256>}, {pipeline_mode = #tpu.pipeline_mode<synchronous>, transform_indices = @transform_7, window_bounds = array<i64: 256, 128>}, {pipeline_mode = #tpu.pipeline_mode<synchronous>, transform_indices = @transform_8, window_bounds = array<i64: 1, 128>}, {pipeline_mode = #tpu.pipeline_mode<synchronous>, transform_indices = @transform_9, window_bounds = array<i64: 1, 128>}, {pipeline_mode = #tpu.pipeline_mode<synchronous>, transform_indices = @transform_10, window_bounds = array<i64: 1, 128>}, {transform_indices = @transform_11, window_bounds = array<i64: 10, 1000>}, {transform_indices = @transform_12, window_bounds = array<i64: 1, 1000, 1>}, {pipeline_mode = #tpu.pipeline_mode<synchronous>, transform_indices = @transform_13, window_bounds = array<i64: 128, 128>}]} {
    %get3A = arith.constant 0 : index
    %get3A_0 = arith.constant 0 : index
    %get3A_1 = vector.load %arg2[%get3A, %get3A_0] : memref<1000x128xf32, #tpu.memory_space<vmem>>, vector<1000x128xf32>
    %get3A_2 = arith.constant 0 : index
    %get3A_3 = arith.constant 0 : index
    %get3A_4 = vector.load %arg1[%get3A_2, %get3A_3] : memref<1000x128xf32, #tpu.memory_space<vmem>>, vector<1000x128xf32>
    %add3A = arith.constant 1.000000e-16 : f32
    %add3A_5 = vector.broadcast %add3A : f32 to vector<1000x128xf32>
    %add3A_6 = arith.addf %get3A_4, %add3A_5 : vector<1000x128xf32>
    %div3A = arith.divf %get3A_1, %add3A_6 : vector<1000x128xf32>
    %get3A_7 = arith.constant 0 : index
    %get3A_8 = arith.constant 0 : index
    %get3A_9 = vector.load %arg3[%get3A_7, %get3A_8] : memref<1000x128xf32, #tpu.memory_space<vmem>>, vector<1000x128xf32>
    %add3A_10 = arith.addf %div3A, %get3A_9 : vector<1000x128xf32>
    %get3A_11 = arith.constant 0 : index
    %get3A_12 = arith.constant 0 : index
    %get3A_13 = vector.load %arg4[%get3A_11, %get3A_12] : memref<128x256xf32, #tpu.memory_space<vmem>>, vector<128x256xf32>
    %dot_general3A = arith.constant dense<0.000000e+00> : vector<1000x256xf32>
    %dot_general3A_14 = tpu.matmul %add3A_10, %get3A_13, %dot_general3A {dimension_numbers = #tpu.dot_dimension_numbers<[1], [0], [0], [1], [0, 0, 1, 1], [], []>, transpose_lhs_hint = false} : vector<1000x128xf32>, vector<128x256xf32>, vector<1000x256xf32> -> vector<1000x256xf32>
    %get3A_15 = arith.constant 0 : index
    %get3A_16 = arith.constant 0 : index
    %get3A_17 = vector.load %arg5[%get3A_15, %get3A_16] : memref<1x256xf32, #tpu.memory_space<vmem>>, vector<1x256xf32>
    %add3A_18 = vector.broadcast %get3A_17 : vector<1x256xf32> to vector<1000x256xf32>
    %add3A_19 = arith.addf %dot_general3A_14, %add3A_18 : vector<1000x256xf32>
    %reduce_sum3A = arith.constant dense<0.000000e+00> : vector<1000xf32>
    %reduce_sum3A_20 = vector.multi_reduction <add>, %add3A_19, %reduce_sum3A [1] : vector<1000x256xf32> to vector<1000xf32>
    %broadcast_in_dim3A = vector.shape_cast %reduce_sum3A_20 : vector<1000xf32> to vector<1000x1xf32>
    %div3A_21 = arith.constant 2.560000e+02 : f32
    %div3A_22 = vector.broadcast %div3A_21 : f32 to vector<1000x1xf32>
    %div3A_23 = arith.divf %broadcast_in_dim3A, %div3A_22 : vector<1000x1xf32>
    %sub3A = vector.broadcast %div3A_23 : vector<1000x1xf32> to vector<1000x256xf32>
    %sub3A_24 = arith.subf %add3A_19, %sub3A : vector<1000x256xf32>
    %integer_pow3A = arith.mulf %sub3A_24, %sub3A_24 : vector<1000x256xf32>
    %reduce_sum3A_25 = arith.constant dense<0.000000e+00> : vector<1000xf32>
    %reduce_sum3A_26 = vector.multi_reduction <add>, %integer_pow3A, %reduce_sum3A_25 [1] : vector<1000x256xf32> to vector<1000xf32>
    %broadcast_in_dim3A_27 = vector.shape_cast %reduce_sum3A_26 : vector<1000xf32> to vector<1000x1xf32>
    %div3A_28 = arith.constant 2.560000e+02 : f32
    %div3A_29 = vector.broadcast %div3A_28 : f32 to vector<1000x1xf32>
    %div3A_30 = arith.divf %broadcast_in_dim3A_27, %div3A_29 : vector<1000x1xf32>
    %sub3A_31 = vector.broadcast %div3A_23 : vector<1000x1xf32> to vector<1000x256xf32>
    %sub3A_32 = arith.subf %add3A_19, %sub3A_31 : vector<1000x256xf32>
    %add3A_33 = arith.constant 9.99999974E-6 : f32
    %add3A_34 = vector.broadcast %add3A_33 : f32 to vector<1000x1xf32>
    %add3A_35 = arith.addf %div3A_30, %add3A_34 : vector<1000x1xf32>
    %rsqrt3A = math.rsqrt %add3A_35 : vector<1000x1xf32>
    %mul3A = vector.broadcast %rsqrt3A : vector<1000x1xf32> to vector<1000x256xf32>
    %mul3A_36 = arith.mulf %sub3A_32, %mul3A : vector<1000x256xf32>
    %get3A_37 = arith.constant 0 : index
    %get3A_38 = arith.constant 0 : index
    %get3A_39 = vector.load %arg6[%get3A_37, %get3A_38] : memref<1x256xf32, #tpu.memory_space<vmem>>, vector<1x256xf32>
    %mul3A_40 = vector.broadcast %get3A_39 : vector<1x256xf32> to vector<1000x256xf32>
    %mul3A_41 = arith.mulf %mul3A_36, %mul3A_40 : vector<1000x256xf32>
    %get3A_42 = arith.constant 0 : index
    %get3A_43 = arith.constant 0 : index
    %get3A_44 = vector.load %arg7[%get3A_42, %get3A_43] : memref<1x256xf32, #tpu.memory_space<vmem>>, vector<1x256xf32>
    %add3A_45 = vector.broadcast %get3A_44 : vector<1x256xf32> to vector<1000x256xf32>
    %add3A_46 = arith.addf %mul3A_41, %add3A_45 : vector<1000x256xf32>
    %max3A = arith.constant 0.000000e+00 : f32
    %max3A_47 = vector.broadcast %max3A : f32 to vector<1000x256xf32>
    %max3A_48 = arith.maximumf %add3A_46, %max3A_47 : vector<1000x256xf32>
    %get3A_49 = arith.constant 0 : index
    %get3A_50 = arith.constant 0 : index
    %get3A_51 = vector.load %arg8[%get3A_49, %get3A_50] : memref<256x128xf32, #tpu.memory_space<vmem>>, vector<256x128xf32>
    %dot_general3A_52 = arith.constant dense<0.000000e+00> : vector<1000x128xf32>
    %dot_general3A_53 = tpu.matmul %max3A_48, %get3A_51, %dot_general3A_52 {dimension_numbers = #tpu.dot_dimension_numbers<[1], [0], [0], [1], [0, 0, 1, 1], [], []>, transpose_lhs_hint = false} : vector<1000x256xf32>, vector<256x128xf32>, vector<1000x128xf32> -> vector<1000x128xf32>
    %get3A_54 = arith.constant 0 : index
    %get3A_55 = arith.constant 0 : index
    %get3A_56 = vector.load %arg9[%get3A_54, %get3A_55] : memref<1x128xf32, #tpu.memory_space<vmem>>, vector<1x128xf32>
    %add3A_57 = vector.broadcast %get3A_56 : vector<1x128xf32> to vector<1000x128xf32>
    %add3A_58 = arith.addf %dot_general3A_53, %add3A_57 : vector<1000x128xf32>
    %get3A_59 = arith.constant 0 : index
    %get3A_60 = arith.constant 0 : index
    %get3A_61 = vector.load %arg10[%get3A_59, %get3A_60] : memref<1x128xf32, #tpu.memory_space<vmem>>, vector<1x128xf32>
    %mul3A_62 = vector.broadcast %get3A_61 : vector<1x128xf32> to vector<1000x128xf32>
    %mul3A_63 = arith.mulf %add3A_58, %mul3A_62 : vector<1000x128xf32>
    %get3A_64 = arith.constant 0 : index
    %get3A_65 = arith.constant 0 : index
    %get3A_66 = vector.load %arg11[%get3A_64, %get3A_65] : memref<1x128xf32, #tpu.memory_space<vmem>>, vector<1x128xf32>
    %add3A_67 = vector.broadcast %get3A_66 : vector<1x128xf32> to vector<1000x128xf32>
    %add3A_68 = arith.addf %mul3A_63, %add3A_67 : vector<1000x128xf32>
    %eq3A = arith.constant 0 : i32
    %eq3A_69 = arith.cmpi eq, %arg0, %eq3A : i32
    %convert_element_type3A = arith.extui %eq3A_69 : i1 to i32
    %cond3A = arith.constant 0 : i32
    %cond3A_70 = arith.cmpi ne, %convert_element_type3A, %cond3A : i32
    scf.if %cond3A_70 {
      %broadcast_in_dim3A_92 = arith.constant 0xFF800000 : f32
      %broadcast_in_dim3A_93 = vector.broadcast %broadcast_in_dim3A_92 : f32 to vector<128x128xf32>
      %swap3A = arith.constant 0 : index
      %swap3A_94 = arith.constant 0 : index
      %swap3A_95 = vector.load %arg14[%swap3A, %swap3A_94] : memref<128x128xf32, #tpu.memory_space<vmem>>, vector<128x128xf32>
      tpu.vector_store %arg14[%swap3A, %swap3A_94], %broadcast_in_dim3A_93 {strides = array<i32>} : memref<128x128xf32, #tpu.memory_space<vmem>>, vector<128x128xf32>,
    } else {
    }
    %get3A_71 = arith.constant 0 : index
    %get3A_72 = arith.constant 0 : index
    %get3A_73 = arith.constant 0 : index
    %get3A_74 = vector.load %arg13[%get3A_71, %get3A_72, %get3A_73] : memref<1x1000x1xi32, #tpu.memory_space<vmem>>, vector<1x1000x1xi32>
    %get3A_75 = vector.shape_cast %get3A_74 : vector<1x1000x1xi32> to vector<1000x1xi32>
    %get3A_76 = arith.index_cast %arg0 : i32 to index
    %get3A_77 = arith.constant 0 : index
    %get3A_78 = memref.load %arg12[%get3A_76, %get3A_77] : memref<10x1000xi32, #tpu.memory_space<smem>>
    %get3A_79 = arith.index_cast %arg0 : i32 to index
    %get3A_80 = arith.constant 999 : index
    %get3A_81 = memref.load %arg12[%get3A_79, %get3A_80] : memref<10x1000xi32, #tpu.memory_space<smem>>
    %add3A_82 = arith.constant 1 : i32
    %add3A_83 = arith.addi %get3A_81, %add3A_82 : i32
    %while3A = arith.constant 0 : i32
    %while3A_84 = arith.subi %add3A_83, %get3A_78 : i32
    %while3A_85 = arith.addi %get3A_78, %while3A_84 : i32
    %while3A_86 = arith.constant 1 : i32
    %while3A_87 = arith.divsi %while3A_84, %while3A_86 : i32
    %while3A_88 = arith.muli %while3A_87, %while3A_86 : i32
    %while3A_89 = arith.addi %get3A_78, %while3A_88 : i32
    %while3A_90 = arith.constant 1 : i32
    scf.for %while3A_92 = %get3A_78 to %while3A_89 step %while3A_90  : i32 {
      %eq3A_93 = vector.broadcast %while3A_92 : i32 to vector<1000x1xi32>
      %eq3A_94 = arith.cmpi eq, %get3A_75, %eq3A_93 : vector<1000x1xi32>
      %jit3A = arith.constant 0xFF800000 : f32
      %broadcast_in_dim3A_95 = vector.shape_cast %eq3A_94 : vector<1000x1xi1> to vector<1000x1xi1>
      %broadcast_in_dim3A_96 = vector.broadcast %broadcast_in_dim3A_95 : vector<1000x1xi1> to vector<1000x128xi1>
      %broadcast_in_dim3A_97 = vector.broadcast %jit3A : f32 to vector<1000x128xf32>
      %select_n3A = arith.select %broadcast_in_dim3A_96, %add3A_68, %broadcast_in_dim3A_97 : vector<1000x128xi1>, vector<1000x128xf32>
      %reduce_max3A = arith.constant dense<0xFF800000> : vector<128xf32>
      %reduce_max3A_98 = vector.multi_reduction <maximumf>, %select_n3A, %reduce_max3A [0] : vector<1000x128xf32> to vector<128xf32>
      %broadcast_in_dim3A_99 = vector.shape_cast %reduce_max3A_98 : vector<128xf32> to vector<1x128xf32>
      %get3A_100 = arith.index_cast %while3A_92 : i32 to index
      %get3A_101 = arith.constant 0 : index
      %get3A_102 = vector.load %arg14[%get3A_100, %get3A_101] : memref<128x128xf32, #tpu.memory_space<vmem>>, vector<1x128xf32>
      %max3A_103 = arith.maximumf %get3A_102, %broadcast_in_dim3A_99 : vector<1x128xf32>
      %swap3A = arith.index_cast %while3A_92 : i32 to index
      %swap3A_104 = arith.constant 0 : index
      %swap3A_105 = vector.load %arg14[%swap3A, %swap3A_104] : memref<128x128xf32, #tpu.memory_space<vmem>>, vector<1x128xf32>
      tpu.vector_store %arg14[%swap3A, %swap3A_104], %max3A_103 {strides = array<i32>} : memref<128x128xf32, #tpu.memory_space<vmem>>, vector<1x128xf32>,
    }
    %while3A_91 = arith.constant 1 : i32
    scf.for %while3A_92 = %while3A_89 to %while3A_85 step %while3A_91  : i32 {
      %eq3A_93 = vector.broadcast %while3A_92 : i32 to vector<1000x1xi32>
      %eq3A_94 = arith.cmpi eq, %get3A_75, %eq3A_93 : vector<1000x1xi32>
      %jit3A = arith.constant 0xFF800000 : f32
      %broadcast_in_dim3A_95 = vector.shape_cast %eq3A_94 : vector<1000x1xi1> to vector<1000x1xi1>
      %broadcast_in_dim3A_96 = vector.broadcast %broadcast_in_dim3A_95 : vector<1000x1xi1> to vector<1000x128xi1>
      %broadcast_in_dim3A_97 = vector.broadcast %jit3A : f32 to vector<1000x128xf32>
      %select_n3A = arith.select %broadcast_in_dim3A_96, %add3A_68, %broadcast_in_dim3A_97 : vector<1000x128xi1>, vector<1000x128xf32>
      %reduce_max3A = arith.constant dense<0xFF800000> : vector<128xf32>
      %reduce_max3A_98 = vector.multi_reduction <maximumf>, %select_n3A, %reduce_max3A [0] : vector<1000x128xf32> to vector<128xf32>
      %broadcast_in_dim3A_99 = vector.shape_cast %reduce_max3A_98 : vector<128xf32> to vector<1x128xf32>
      %get3A_100 = arith.index_cast %while3A_92 : i32 to index
      %get3A_101 = arith.constant 0 : index
      %get3A_102 = vector.load %arg14[%get3A_100, %get3A_101] : memref<128x128xf32, #tpu.memory_space<vmem>>, vector<1x128xf32>
      %max3A_103 = arith.maximumf %get3A_102, %broadcast_in_dim3A_99 : vector<1x128xf32>
      %swap3A = arith.index_cast %while3A_92 : i32 to index
      %swap3A_104 = arith.constant 0 : index
      %swap3A_105 = vector.load %arg14[%swap3A, %swap3A_104] : memref<128x128xf32, #tpu.memory_space<vmem>>, vector<1x128xf32>
      tpu.vector_store %arg14[%swap3A, %swap3A_104], %max3A_103 {strides = array<i32>} : memref<128x128xf32, #tpu.memory_space<vmem>>, vector<1x128xf32>,
    }
    return
  }
  func.func @transform_0(%arg0: i32) -> (i32, i32) {
    %c0_i32 = arith.constant 0 : i32
    %c0_i32_0 = arith.constant 0 : i32
    return %arg0, %c0_i32 : i32, i32
  }
  func.func @transform_1(%arg0: i32) -> (i32, i32) {
    %c0_i32 = arith.constant 0 : i32
    %c0_i32_0 = arith.constant 0 : i32
    return %arg0, %c0_i32 : i32, i32
  }
  func.func @transform_2(%arg0: i32) -> (i32, i32) {
    %c0_i32 = arith.constant 0 : i32
    %c0_i32_0 = arith.constant 0 : i32
    return %arg0, %c0_i32 : i32, i32
  }
  func.func @transform_3(%arg0: i32) -> (i32, i32) {
    %c0_i32 = arith.constant 0 : i32
    %c0_i32_0 = arith.constant 0 : i32
    %c0_i32_1 = arith.constant 0 : i32
    return %c0_i32, %c0_i32_0 : i32, i32
  }
  func.func @transform_4(%arg0: i32) -> (i32, i32) {
    %c0_i32 = arith.constant 0 : i32
    %c0_i32_0 = arith.constant 0 : i32
    %c0_i32_1 = arith.constant 0 : i32
    return %c0_i32, %c0_i32_0 : i32, i32
  }
  func.func @transform_5(%arg0: i32) -> (i32, i32) {
    %c0_i32 = arith.constant 0 : i32
    %c0_i32_0 = arith.constant 0 : i32
    %c0_i32_1 = arith.constant 0 : i32
    return %c0_i32, %c0_i32_0 : i32, i32
  }
  func.func @transform_6(%arg0: i32) -> (i32, i32) {
    %c0_i32 = arith.constant 0 : i32
    %c0_i32_0 = arith.constant 0 : i32
    %c0_i32_1 = arith.constant 0 : i32
    return %c0_i32, %c0_i32_0 : i32, i32
  }
  func.func @transform_7(%arg0: i32) -> (i32, i32) {
    %c0_i32 = arith.constant 0 : i32
    %c0_i32_0 = arith.constant 0 : i32
    %c0_i32_1 = arith.constant 0 : i32
    return %c0_i32, %c0_i32_0 : i32, i32
  }
  func.func @transform_8(%arg0: i32) -> (i32, i32) {
    %c0_i32 = arith.constant 0 : i32
    %c0_i32_0 = arith.constant 0 : i32
    %c0_i32_1 = arith.constant 0 : i32
    return %c0_i32, %c0_i32_0 : i32, i32
  }
  func.func @transform_9(%arg0: i32) -> (i32, i32) {
    %c0_i32 = arith.constant 0 : i32
    %c0_i32_0 = arith.constant 0 : i32
    %c0_i32_1 = arith.constant 0 : i32
    return %c0_i32, %c0_i32_0 : i32, i32
  }
  func.func @transform_10(%arg0: i32) -> (i32, i32) {
    %c0_i32 = arith.constant 0 : i32
    %c0_i32_0 = arith.constant 0 : i32
    %c0_i32_1 = arith.constant 0 : i32
    return %c0_i32, %c0_i32_0 : i32, i32
  }
  func.func @transform_11(%arg0: i32) -> (i32, i32) {
    %c0_i32 = arith.constant 0 : i32
    %c0_i32_0 = arith.constant 0 : i32
    %c0_i32_1 = arith.constant 0 : i32
    return %c0_i32, %c0_i32_0 : i32, i32
  }
  func.func @transform_12(%arg0: i32) -> (i32, i32, i32) {
    %c0_i32 = arith.constant 0 : i32
    %c0_i32_0 = arith.constant 0 : i32
    %c0_i32_1 = arith.constant 0 : i32
    return %arg0, %c0_i32, %c0_i32_0 : i32, i32, i32
  }
  func.func @transform_13(%arg0: i32) -> (i32, i32) {
    %c0_i32 = arith.constant 0 : i32
    %c0_i32_0 = arith.constant 0 : i32
    %c0_i32_1 = arith.constant 0 : i32
    return %c0_i32, %c0_i32_0 : i32, i32
  }
}

module attributes {stable_mosaic.version = 14 : i64} {
  func.func @_kd(%arg0: memref<128x128xf32, #tpu.memory_space<vmem>>, %arg1: memref<128x32xf32, #tpu.memory_space<vmem>>, %arg2: memref<128x64xf32, #tpu.memory_space<vmem>>, %arg3: memref<1x64xf32, #tpu.memory_space<vmem>>, %arg4: memref<1x64xf32, #tpu.memory_space<vmem>>, %arg5: memref<1x64xf32, #tpu.memory_space<vmem>>, %arg6: memref<64x32xf32, #tpu.memory_space<vmem>>, %arg7: memref<1x32xf32, #tpu.memory_space<vmem>>, %arg8: memref<32x1xf32, #tpu.memory_space<vmem>>, %arg9: memref<1x1xf32, #tpu.memory_space<vmem>>, %arg10: memref<32x63xf32, #tpu.memory_space<vmem>>, %arg11: memref<1x63xf32, #tpu.memory_space<vmem>>, %arg12: memref<64x128xf32, #tpu.memory_space<vmem>>, %arg13: memref<1x128xf32, #tpu.memory_space<vmem>>, %arg14: memref<128x32xf32, #tpu.memory_space<vmem>>, %arg15: memref<1x32xf32, #tpu.memory_space<vmem>>, %arg16: memref<32x1xf32, #tpu.memory_space<vmem>>, %arg17: memref<1x1xf32, #tpu.memory_space<vmem>>, %arg18: memref<128x1xf32, #tpu.memory_space<vmem>>) attributes {dimension_semantics = [], scalar_prefetch = 0 : i64, scratch_operands = 0 : i64, tpu.core_type = #tpu.core_type<tc>} {
    %get3A = arith.constant 0 : index
    %get3A_0 = arith.constant 0 : index
    %get3A_1 = vector.load %arg0[%get3A, %get3A_0] : memref<128x128xf32, #tpu.memory_space<vmem>>, vector<128x128xf32>
    %is_finite3A = tpu.weird %get3A_1 : vector<128x128xf32> -> vector<128x128xi1>
    %is_finite3A_2 = arith.constant dense<true> : vector<128x128xi1>
    %is_finite3A_3 = arith.xori %is_finite3A, %is_finite3A_2 : vector<128x128xi1>
    %jit3A = arith.constant 0.000000e+00 : f32
    %broadcast_in_dim3A = vector.broadcast %jit3A : f32 to vector<128x128xf32>
    %select_n3A = arith.select %is_finite3A_3, %get3A_1, %broadcast_in_dim3A : vector<128x128xi1>, vector<128x128xf32>
    %get3A_4 = arith.constant 0 : index
    %get3A_5 = arith.constant 0 : index
    %get3A_6 = vector.load %arg2[%get3A_4, %get3A_5] : memref<128x64xf32, #tpu.memory_space<vmem>>, vector<128x64xf32>
    %dot_general3A = arith.constant dense<0.000000e+00> : vector<128x64xf32>
    %dot_general3A_7 = tpu.matmul %select_n3A, %get3A_6, %dot_general3A {dimension_numbers = #tpu.dot_dimension_numbers<[1], [0], [0], [1], [0, 0, 1, 1], [], []>, transpose_lhs_hint = false} : vector<128x128xf32>, vector<128x64xf32>, vector<128x64xf32> -> vector<128x64xf32>
    %get3A_8 = arith.constant 0 : index
    %get3A_9 = arith.constant 0 : index
    %get3A_10 = vector.load %arg3[%get3A_8, %get3A_9] : memref<1x64xf32, #tpu.memory_space<vmem>>, vector<1x64xf32>
    %add3A = vector.broadcast %get3A_10 : vector<1x64xf32> to vector<128x64xf32>
    %add3A_11 = arith.addf %dot_general3A_7, %add3A : vector<128x64xf32>
    %max3A = arith.constant 0.000000e+00 : f32
    %max3A_12 = vector.broadcast %max3A : f32 to vector<128x64xf32>
    %max3A_13 = arith.maximumf %add3A_11, %max3A_12 : vector<128x64xf32>
    %get3A_14 = arith.constant 0 : index
    %get3A_15 = arith.constant 0 : index
    %get3A_16 = vector.load %arg4[%get3A_14, %get3A_15] : memref<1x64xf32, #tpu.memory_space<vmem>>, vector<1x64xf32>
    %mul3A = vector.broadcast %get3A_16 : vector<1x64xf32> to vector<128x64xf32>
    %mul3A_17 = arith.mulf %max3A_13, %mul3A : vector<128x64xf32>
    %get3A_18 = arith.constant 0 : index
    %get3A_19 = arith.constant 0 : index
    %get3A_20 = vector.load %arg5[%get3A_18, %get3A_19] : memref<1x64xf32, #tpu.memory_space<vmem>>, vector<1x64xf32>
    %add3A_21 = vector.broadcast %get3A_20 : vector<1x64xf32> to vector<128x64xf32>
    %add3A_22 = arith.addf %mul3A_17, %add3A_21 : vector<128x64xf32>
    %get3A_23 = arith.constant 0 : index
    %get3A_24 = arith.constant 0 : index
    %get3A_25 = vector.load %arg6[%get3A_23, %get3A_24] : memref<64x32xf32, #tpu.memory_space<vmem>>, vector<64x32xf32>
    %dot_general3A_26 = arith.constant dense<0.000000e+00> : vector<128x32xf32>
    %dot_general3A_27 = tpu.matmul %add3A_22, %get3A_25, %dot_general3A_26 {dimension_numbers = #tpu.dot_dimension_numbers<[1], [0], [0], [1], [0, 0, 1, 1], [], []>, transpose_lhs_hint = false} : vector<128x64xf32>, vector<64x32xf32>, vector<128x32xf32> -> vector<128x32xf32>
    %get3A_28 = arith.constant 0 : index
    %get3A_29 = arith.constant 0 : index
    %get3A_30 = vector.load %arg7[%get3A_28, %get3A_29] : memref<1x32xf32, #tpu.memory_space<vmem>>, vector<1x32xf32>
    %add3A_31 = vector.broadcast %get3A_30 : vector<1x32xf32> to vector<128x32xf32>
    %add3A_32 = arith.addf %dot_general3A_27, %add3A_31 : vector<128x32xf32>
    %max3A_33 = arith.constant 0.000000e+00 : f32
    %max3A_34 = vector.broadcast %max3A_33 : f32 to vector<128x32xf32>
    %max3A_35 = arith.maximumf %add3A_32, %max3A_34 : vector<128x32xf32>
    %get3A_36 = arith.constant 0 : index
    %get3A_37 = arith.constant 0 : index
    %get3A_38 = vector.load %arg8[%get3A_36, %get3A_37] : memref<32x1xf32, #tpu.memory_space<vmem>>, vector<32x1xf32>
    %dot_general3A_39 = arith.constant dense<0.000000e+00> : vector<128x1xf32>
    %dot_general3A_40 = tpu.matmul %max3A_35, %get3A_38, %dot_general3A_39 {dimension_numbers = #tpu.dot_dimension_numbers<[1], [0], [0], [1], [0, 0, 1, 1], [], []>, transpose_lhs_hint = false} : vector<128x32xf32>, vector<32x1xf32>, vector<128x1xf32> -> vector<128x1xf32>
    %get3A_41 = arith.constant 0 : index
    %get3A_42 = arith.constant 0 : index
    %get3A_43 = vector.load %arg9[%get3A_41, %get3A_42] : memref<1x1xf32, #tpu.memory_space<vmem>>, vector<1x1xf32>
    %add3A_44 = vector.broadcast %get3A_43 : vector<1x1xf32> to vector<128x1xf32>
    %add3A_45 = arith.addf %dot_general3A_40, %add3A_44 : vector<128x1xf32>
    %get3A_46 = arith.constant 0 : index
    %get3A_47 = arith.constant 0 : index
    %get3A_48 = vector.load %arg1[%get3A_46, %get3A_47] : memref<128x32xf32, #tpu.memory_space<vmem>>, vector<128x32xf32>
    %get3A_49 = arith.constant 0 : index
    %get3A_50 = arith.constant 0 : index
    %get3A_51 = vector.load %arg10[%get3A_49, %get3A_50] : memref<32x63xf32, #tpu.memory_space<vmem>>, vector<32x63xf32>
    %dot_general3A_52 = arith.constant dense<0.000000e+00> : vector<128x63xf32>
    %dot_general3A_53 = tpu.matmul %get3A_48, %get3A_51, %dot_general3A_52 {dimension_numbers = #tpu.dot_dimension_numbers<[1], [0], [0], [1], [0, 0, 1, 1], [], []>, transpose_lhs_hint = false} : vector<128x32xf32>, vector<32x63xf32>, vector<128x63xf32> -> vector<128x63xf32>
    %get3A_54 = arith.constant 0 : index
    %get3A_55 = arith.constant 0 : index
    %get3A_56 = vector.load %arg11[%get3A_54, %get3A_55] : memref<1x63xf32, #tpu.memory_space<vmem>>, vector<1x63xf32>
    %add3A_57 = vector.broadcast %get3A_56 : vector<1x63xf32> to vector<128x63xf32>
    %add3A_58 = arith.addf %dot_general3A_53, %add3A_57 : vector<128x63xf32>
    %max3A_59 = arith.constant 0.000000e+00 : f32
    %max3A_60 = vector.broadcast %max3A_59 : f32 to vector<128x63xf32>
    %max3A_61 = arith.maximumf %add3A_58, %max3A_60 : vector<128x63xf32>
    %concatenate3A = tpu.concatenate %add3A_45, %max3A_61 in 1 : vector<128x1xf32>, vector<128x63xf32> -> vector<128x64xf32>
    %get3A_62 = arith.constant 0 : index
    %get3A_63 = arith.constant 0 : index
    %get3A_64 = vector.load %arg12[%get3A_62, %get3A_63] : memref<64x128xf32, #tpu.memory_space<vmem>>, vector<64x128xf32>
    %dot_general3A_65 = arith.constant dense<0.000000e+00> : vector<128x128xf32>
    %dot_general3A_66 = tpu.matmul %concatenate3A, %get3A_64, %dot_general3A_65 {dimension_numbers = #tpu.dot_dimension_numbers<[1], [0], [0], [1], [0, 0, 1, 1], [], []>, transpose_lhs_hint = false} : vector<128x64xf32>, vector<64x128xf32>, vector<128x128xf32> -> vector<128x128xf32>
    %get3A_67 = arith.constant 0 : index
    %get3A_68 = arith.constant 0 : index
    %get3A_69 = vector.load %arg13[%get3A_67, %get3A_68] : memref<1x128xf32, #tpu.memory_space<vmem>>, vector<1x128xf32>
    %add3A_70 = vector.broadcast %get3A_69 : vector<1x128xf32> to vector<128x128xf32>
    %add3A_71 = arith.addf %dot_general3A_66, %add3A_70 : vector<128x128xf32>
    %get3A_72 = arith.constant 0 : index
    %get3A_73 = arith.constant 0 : index
    %get3A_74 = vector.load %arg14[%get3A_72, %get3A_73] : memref<128x32xf32, #tpu.memory_space<vmem>>, vector<128x32xf32>
    %dot_general3A_75 = arith.constant dense<0.000000e+00> : vector<128x32xf32>
    %dot_general3A_76 = tpu.matmul %add3A_71, %get3A_74, %dot_general3A_75 {dimension_numbers = #tpu.dot_dimension_numbers<[1], [0], [0], [1], [0, 0, 1, 1], [], []>, transpose_lhs_hint = false} : vector<128x128xf32>, vector<128x32xf32>, vector<128x32xf32> -> vector<128x32xf32>
    %get3A_77 = arith.constant 0 : index
    %get3A_78 = arith.constant 0 : index
    %get3A_79 = vector.load %arg15[%get3A_77, %get3A_78] : memref<1x32xf32, #tpu.memory_space<vmem>>, vector<1x32xf32>
    %add3A_80 = vector.broadcast %get3A_79 : vector<1x32xf32> to vector<128x32xf32>
    %add3A_81 = arith.addf %dot_general3A_76, %add3A_80 : vector<128x32xf32>
    %max3A_82 = arith.constant 0.000000e+00 : f32
    %max3A_83 = vector.broadcast %max3A_82 : f32 to vector<128x32xf32>
    %max3A_84 = arith.maximumf %add3A_81, %max3A_83 : vector<128x32xf32>
    %get3A_85 = arith.constant 0 : index
    %get3A_86 = arith.constant 0 : index
    %get3A_87 = vector.load %arg16[%get3A_85, %get3A_86] : memref<32x1xf32, #tpu.memory_space<vmem>>, vector<32x1xf32>
    %dot_general3A_88 = arith.constant dense<0.000000e+00> : vector<128x1xf32>
    %dot_general3A_89 = tpu.matmul %max3A_84, %get3A_87, %dot_general3A_88 {dimension_numbers = #tpu.dot_dimension_numbers<[1], [0], [0], [1], [0, 0, 1, 1], [], []>, transpose_lhs_hint = false} : vector<128x32xf32>, vector<32x1xf32>, vector<128x1xf32> -> vector<128x1xf32>
    %get3A_90 = arith.constant 0 : index
    %get3A_91 = arith.constant 0 : index
    %get3A_92 = vector.load %arg17[%get3A_90, %get3A_91] : memref<1x1xf32, #tpu.memory_space<vmem>>, vector<1x1xf32>
    %add3A_93 = vector.broadcast %get3A_92 : vector<1x1xf32> to vector<128x1xf32>
    %add3A_94 = arith.addf %dot_general3A_89, %add3A_93 : vector<128x1xf32>
    %swap3A = arith.constant 0 : index
    %swap3A_95 = arith.constant 0 : index
    %swap3A_96 = vector.load %arg18[%swap3A, %swap3A_95] : memref<128x1xf32, #tpu.memory_space<vmem>>, vector<128x1xf32>
    tpu.vector_store %arg18[%swap3A, %swap3A_95], %add3A_94 {strides = array<i32>} : memref<128x1xf32, #tpu.memory_space<vmem>>, vector<128x1xf32>,
    return
  }
}

</mosaic_0001>

<sc_bundles>
// kernel: kernel.7.cloned.1.call-start
scs
__scs_entry_jumppad:
0x0: {  	(pc) =	sbr.rel $0x88, $3  }
0x1: {  	(tag) =	ssettag $0x0;
	lr =	simm.s32 $0x1  }
0x2: {  	[smem:$0x3F7C] =	sst lr;
	_ =	strace $0xD0000000  }
0x3: {  	_ = 	snop  }
0x4: {  	_ = 	snop  }
0x5: {  	_ = 	snop  }
0x6: {  	_ = 	snop  }
0x7: {  	_ = 	snop  }
__scs_overlays_trampoline_lowered:
0x8: {  	[smem:$0x3F8B] =	sst s0  }
0x9: {  	[smem:$0x3F8C] =	sst s1  }
0xa: {  	[smem:$0x3F8D] =	sst s2  }
0xb: {  	[smem:$0x3F8E] =	sst s3  }
0xc: {  	[smem:$0x3F8F] =	sst s4  }
0xd: {  	[smem:$0x3F90] =	sst s5  }
0xe: {  	[smem:$0x3F91] =	sst s6  }
0xf: {  	[smem:$0x3F92] =	sst s7  }
0x10: {  	[smem:$0x3F93] =	sst s8  }
0x11: {  	[smem:$0x3F94] =	sst s9;
	s0 =	simm.s32 @!p0 $0x0  }
0x12: {  	s1 =	sld [smem:$0x3F7A];
	s0 =	simm.s32 @p0 $0x1  }
0x13: {  	[smem:$0x3F95] =	sst s0;
	s0 =	simm.s32 @!p1 $0x0  }
0x14: {  	s2 =	sld [smem:$0x3F79];
	s0 =	simm.s32 @p1 $0x1  }
0x15: {  	[smem:$0x3F96] =	sst s0;
	s0 =	simm.s32 @!p2 $0x0  }
0x16: {  	s3 =	sld [smem:$0x3FDB];
	s0 =	simm.s32 @p2 $0x1  }
0x17: {  	s4 =	simm.s32 $0x1BF5;
	[smem:$0x3F98] =	sst s0  }
0x18: {  	s0 =	sld [smem:$0x3F7B];
	_ =	swait.ge [sflag:s4], $0x0  }
0x19: {  	s7 =	sld [smem:$0x3F7C]  }
0x1a: {  	s8 =	sadd.s32 $0xFFFFE003, lr  }
0x1b: {  	s9 =	sadd.s32 $0xFFFFFEF7, lr;
	s5 =	simm.s32 $0xFFFFFFFF;
	p2 =	slt.u32 s8, $0xFFFFF086  }
0x1c: {  	p1 =	slt.u32 s9, $0xF7A;
	s5 =	simm.s32 @!p2 $0x0  }
0x1d: {  	s5 =	simm.s32 @p1 $0x1;
	p0 =	seq.s32 s7, s2  }
0x1e: {  	s7 =	smul.u32 @!p0 $0xF7A, s2;
	p2 =	seq.s32 @!p0 s5, $0x0  }
0x1f: {  	s9 =	smul.u32 $0xF7A, s1;
	s8 =	simm.s32 @!p0 $0x1BF5;
	p2 =	por !p2, p0  }
0x20: {  	[sflag:s8] =	ssyncset.s32 @!p0 $0xFFFFF086;
	s6 =	sadd.s32 @!p0 s3, s7;
	s7 =	simm.s32 @!p0 $0x108  }
0x21: {  	s3 =	sadd.s32 s3, s9;
	s6 =	sadd.s32 @!p0 $0x88, s6;
	s7 =	simm.s32 @p2 $0x1082  }
0x22: {  	[simem:s7], [sflag:s8] =	dma.local @!p0 [hbm:s6], $0xF7A  }
0x23: {  	s9 =	sor.u32 $0xD0000000, s2;
	s6 =	simm.s32 $0x108;
	_ =	swait.ge @!p0 [sflag:s8], $0x0  }
0x24: {  	s3 =	sadd.s32 $0x88, s3;
	s6 =	simm.s32 @!p1 $0x1082;
	[sflag:s4] =	ssyncset.s32 $0xFFFFF086  }
0x25: {  	[simem:s6], [sflag:s4] =	dma.local [hbm:s3], $0xF7A  }
0x26: {  	[smem:$0x3F7C] =	sst s1;
	(tag) =	ssettag s2;
	_ =	strace s9  }
0x27: {  	s1 =	sld [smem:$0x3F8C]  }
0x28: {  	s2 =	sld [smem:$0x3F8D]  }
0x29: {  	s4 =	sld [smem:$0x3F8F]  }
0x2a: {  	p0 =	seq.s32 s5, $0x0;
	s5 =	sld [smem:$0x3F90]  }
0x2b: {  	s6 =	sld [smem:$0x3F91]  }
0x2c: {  	s7 =	sld [smem:$0x3F92]  }
0x2d: {  	s3 =	simm.s32 $0x108;
	s8 =	sld [smem:$0x3F93]  }
0x2e: {  	s3 =	simm.s32 @!p0 $0x1082;
	s9 =	sld [smem:$0x3F94]  }
0x2f: {  	lr =	sadd.s32 s0, s3;
	s0 =	sld [smem:$0x3F8B]  }
0x30: {  	s3 =	sld [smem:$0x3F8E]  }
0x31: {  	[smem:$0x3F97] =	sst s10  }
0x32: {  	s10 =	sld [smem:$0x3F95];
	_ =	sdelay $0x3  }
0x33: {  	p0 =	seq.s32 s10, $0x1;
	s10 =	sld [smem:$0x3F97];
	_ =	sdelay $0x3  }
0x34: {  	[smem:$0x3F97] =	sst s10  }
0x35: {  	s10 =	sld [smem:$0x3F96];
	_ =	sdelay $0x3  }
0x36: {  	p1 =	seq.s32 s10, $0x1;
	s10 =	sld [smem:$0x3F97];
	_ =	sdelay $0x3  }
0x37: {  	[smem:$0x3F97] =	sst s10  }
0x38: {  	s10 =	sld [smem:$0x3F98]  }
0x39: {  	_ = 	snop;
	(pc) =	sbr.ind lr, $3  }
0x3a: {  	_ = 	snop  }
0x3b: {  	_ = 	snop  }
0x3c: {  	p2 =	seq.s32 s10, $0x1;
	s10 =	sld [smem:$0x3F97]  }
0x3d: {  	_ =	shalt  }
0x3e: {  	_ =	shalt  }
0x3f: {  	_ =	shalt  }
0x40: {  	_ =	shalt  }
0x41: {  	_ =	shalt  }
0x42: {  	_ =	shalt  }
0x43: {  	_ =	shalt  }
0x44: {  	_ =	shalt  }
0x45: {  	_ =	shalt  }
0x46: {  	_ =	shalt  }
0x47: {  	_ =	shalt  }
0x48: {  	_ =	shalt  }
0x49: {  	_ =	shalt  }
0x4a: {  	_ =	shalt  }
0x4b: {  	_ =	shalt  }
0x4c: {  	_ =	shalt  }
0x4d: {  	_ =	shalt  }
0x4e: {  	_ =	shalt  }
0x4f: {  	_ =	shalt  }
0x50: {  	_ =	shalt  }
0x51: {  	_ =	shalt  }
0x52: {  	_ =	shalt  }
0x53: {  	_ =	shalt  }
0x54: {  	_ =	shalt  }
0x55: {  	_ =	shalt  }
0x56: {  	_ =	shalt  }
0x57: {  	_ =	shalt  }
0x58: {  	_ =	shalt  }
0x59: {  	_ =	shalt  }
0x5a: {  	_ =	shalt  }
0x5b: {  	_ =	shalt  }
0x5c: {  	_ =	shalt  }
0x5d: {  	_ =	shalt  }
0x5e: {  	_ =	shalt  }
0x5f: {  	_ =	shalt  }
0x60: {  	_ =	shalt  }
0x61: {  	_ =	shalt  }
0x62: {  	_ =	shalt  }
0x63: {  	_ =	shalt  }
0x64: {  	_ =	shalt  }
0x65: {  	_ =	shalt  }
0x66: {  	_ =	shalt  }
0x67: {  	_ =	shalt  }
0x68: {  	_ =	shalt  }
0x69: {  	_ =	shalt  }
0x6a: {  	_ =	shalt  }
0x6b: {  	_ =	shalt  }
0x6c: {  	_ =	shalt  }
0x6d: {  	_ =	shalt  }
0x6e: {  	_ =	shalt  }
0x6f: {  	_ =	shalt  }
0x70: {  	_ =	shalt  }
0x71: {  	_ =	shalt  }
0x72: {  	_ =	shalt  }
0x73: {  	_ =	shalt  }
0x74: {  	_ =	shalt  }
0x75: {  	_ =	shalt  }
0x76: {  	_ =	shalt  }
0x77: {  	_ =	shalt  }
0x78: {  	_ =	shalt  }
0x79: {  	_ =	shalt  }
0x7a: {  	_ =	shalt  }
0x7b: {  	_ =	shalt  }
0x7c: {  	_ =	shalt  }
0x7d: {  	_ =	shalt  }
0x7e: {  	_ =	shalt  }
0x7f: {  	_ =	shalt  }
0x80: {  	_ =	shalt  }
0x81: {  	_ =	shalt  }
0x82: {  	_ =	shalt  }
0x83: {  	_ =	shalt  }
0x84: {  	_ =	shalt  }
0x85: {  	_ =	shalt  }
0x86: {  	_ =	shalt  }
0x87: {  	_ =	shalt  }
.Lfunc_end0:
.L_simem_size_0:
called_computation_lowered:
.L_overlay_start_0:
0x88: {  	s2 =	sld [smem:$0x3FD9]  }
0x89: {  	s3 =	sld [smem:$0x3FFE];
	_ =	sdelay $0x1  }
0x8a: {  	s1 =	srdreg.scid  }
0x8b: {  	s0 =	sand.u32 $0x1, s1  }
0x8c: {  	s16 =	sshll.u32 s0, $0xA;
	s2 =	sadd.s32 s3, s2  }
0x8d: {  	s2 =	sadd.s32 s2, s16  }
0x8e: {  	[smem:$0x3FA3] =	sst s2  }
0x8f: {  	_ = 	snop  }
0x90: {  	(tm) =	ssettm $0x1  }
0x91: {  	s17 =	sld [smem:$0x3FFB];
	_ =	sdelay $0x3  }
0x92: {  	_ =	strace s17  }
0x93: {  	s2 =	sld [smem:$0x3FFC];
	_ =	sdelay $0x3  }
0x94: {  	_ =	strace s2  }
0x95: {  	s2 =	sld [smem:$0x3FFD];
	_ =	sdelay $0x3  }
0x96: {  	_ =	strace s2  }
0x97: {  	_ =	strace $0x8FFFFFFF  }
0x98: {  	s18 =	sld [smem:$0x3FDB];
	_ =	sdelay $0x1  }
0x99: {  	s19 =	simm.s32 $_scs_section_size  }
0x9a: {  	s4 =	simm.s32 $_size__tile_overlayer_lowered;
	s5 =	simm.s32 $_tile_overlayer_lowered  }
0x9b: {  	s22 =	simm.s32 $0x1BFF;
	s21 =	sshll.u32 s5, $0x1;
	s2 =	sadd.s32 s19, s18  }
0x9c: {  	s6 =	simm.s32 $0x0;
	s20 =	sshll.u32 s4, $0x1;
	s4 =	sadd.s32 s21, s2  }
0x9d: {  	[timem:s6], [sflag:s22] =	dma.local [hbm:s4], s20  }
0x9e: {  	_ =	swait.ge [sflag:s22], s20  }
0x9f: {  	s3 =	ssub.s32 $0x0, s20;
	[sflag:s22] =	ssyncset.done $0x0  }
0xa0: {  	[sflag:s22] =	ssyncadd.s32 s3;
	_ =	sdelay $0x1  }
0xa1: {  	s23 =	simm.s32 $0x1B8B  }
0xa2: {  	_ =	swait.ge [sflag:s23], $0x1  }
0xa3: {  	[sflag:s23] =	ssyncset.done $0x0  }
0xa4: {  	s25 =	simm.s32 $0x1B8E;
	s24 =	sld [smem:$0x3FFE];
	[sflag:s23] =	ssyncadd.s32 $0xFFFFFFFF  }
0xa5: {  	s26 =	simm.s32 $execute0_lowered;
	[smem:$0x3FD2] =	sst s25  }
0xa6: {  	s4 =	sshll.u32 s26, $0x1;
	_ =	strace $0x80000046;
	[dreg:$0x1] =	wrdreg $0xFFFFFFFF  }
0xa7: {  	s28 =	simm.s32 $_size_execute0_lowered;
	s2 =	sadd.s32 s2, s4;
	[dreg:$0x0] =	wrdreg $0x0  }
0xa8: {  	s4 =	sshll.u32 s28, $0x1;
	[dreg:$0x2] =	wrdreg s2  }
0xa9: {  	[dreg:$0x3] =	wrdreg s4  }
0xaa: {  	[dreg:$0x4] =	wrdreg $0xC0  }
0xab: {  	_ =	task [dreg:s6], $0x5FFFF  }
0xac: {  	[dreg:$0x1] =	wrdreg $0xFFFFFFFF  }
0xad: {  	[dreg:$0x0] =	wrdreg $0x60  }
0xae: {  	[dreg:$0x2] =	wrdreg s24  }
0xaf: {  	[dreg:$0x3] =	wrdreg $0xC2000  }
0xb0: {  	[dreg:$0x4] =	wrdreg $0x9  }
0xb1: {  	_ =	task.clear_ibuf [dreg:s6], $0x5FFFF;
	_ =	strace $0x90000046  }
0xb2: {  	s29 =	simm.s32 $0x9;
	_ =	strace $0x80000048  }
0xb3: {  	_ =	swait.ge [sflag:s29], $0x1  }
0xb4: {  	[sflag:s29] =	ssyncadd.s32 $0xFFFFFFFF  }
0xb5: {  	_ =	strace $0x90000048  }
0xb6: {  	_ =	sfence  }
0xb7: {  	s30 =	sld [smem:$0x0];
	_ =	sdelay $0x2  }
0xb8: {  	s31 =	sshll.u32 s1, $0xD;
	s1 =	sshrl.u32 s1, $0x2  }
0xb9: {  	s3 =	sand.u32 $0x4000, s31;
	s1 =	sadd.s32 s1, s30  }
0xba: {  	s0 =	sor.u32 s3, s0;
	s1 =	sshll.u32 s1, $0x11  }
0xbb: {  	s0 =	sor.u32 s1, s0  }
0xbc: {  	s0 =	sadd.s32 $0x8F2B, s0  }
0xbd: {  	[sflag:s0] =	ssyncadd.remote.s32 $0x1  }
0xbe: {  	_ =	sfence.sel $0xFFFF  }
0xbf: {  	[dreg:$0x0] =	wrdreg $0xFFFFFFFF;
	(pc) =	sbr.abs _section_cstart, $3  }
0xc0: {  	[dreg:$0x1] =	wrdreg $0xFFFFFFFF  }
0xc1: {  	_ =	task.clear_ibuf [dreg:s6], $0x2FFFF;
	_ =	strace $0x9FFFFFFF  }
0xc2: {  	(tm) =	ssettm $0x7FFFFFFF  }
0xc3: {  	_ =	shalt  }
tec
execute0_lowered:
.L_overlay_start_1:
0x0: {  	(tag) =	ssettag $0x1  }
0x1: {  	s11 =	rddreg [dreg:$0x0]  }
0x2: {  	s2 =	rddreg [dreg:$0x1]  }
0x3: {  	s0 =	rddreg [dreg:$0x2]  }
0x4: {  	s3 =	simm.s32 $0x0;
	s1 =	stileid.u32;
	s5 =	srdreg.scid  }
0x5: {  	[smem:$0x7FF] =	sst s3;
	s9 =	smul.u32 $0x140, s1;
	s4 =	sadd.s32 $0x5A00, s11  }
0x6: {  	s10 =	sand.u32 $0x1, s5;
	s8 =	smul.u32 $0x2780, s1;
	s5 =	sadd.s32 $0x54C00, s11  }
0x7: {  	v21 =	vlaneseq.u32;
	s6 =	sadd.s32 $0x40C00, s11;
	s7 =	sor.u32 $0x10, s9;
	s12 =	sor.u32 $0x20, s9  }
0x8: {  	_ =	strace $0x80000047;
	v0 =	vor.u32 s9, v21;
	s26 =	sor.u32 $0x30, s9;
	s14 =	sadd.s32 $0x40, s9;
	v1 =	vor.u32 s7, v21;
	v2 =	vor.u32 s12, v21  }
0x9: {  	s15 =	sadd.s32 $0x50, s9;
	s28 =	sadd.s32 $0x60, s9;
	s29 =	sadd.s32 $0x70, s9;
	v0 =	vmin.u32 v0, $0x13FF;
	v3 =	vor.u32 s26, v21;
	v4 =	vor.u32 s14, v21  }
0xa: {  	s30 =	sadd.s32 $0x80, s9;
	s17 =	sadd.s32 $0x90, s9;
	s18 =	sadd.s32 $0xA0, s9;
	v5 =	vor.u32 s15, v21;
	v6 =	vor.u32 s28, v21;
	v7 =	vor.u32 s29, v21  }
0xb: {  	s19 =	sadd.s32 $0xB0, s9;
	s20 =	sadd.s32 $0xC0, s9;
	s21 =	sadd.s32 $0xD0, s9;
	v8 =	vor.u32 s30, v21;
	v9 =	vor.u32 s17, v21;
	v10 =	vor.u32 s18, v21  }
0xc: {  	s22 =	sadd.s32 $0xE0, s9;
	s23 =	sadd.s32 $0xF0, s9;
	s24 =	sadd.s32 $0x110, s9;
	v11 =	vor.u32 s19, v21;
	v12 =	vor.u32 s20, v21;
	v13 =	vor.u32 s21, v21  }
0xd: {  	s13 =	smul.u32 $0x27800, s10;
	s16 =	ssub.s32 $0x2, s10;
	s25 =	sadd.s32 $0x120, s9;
	v14 =	vor.u32 s22, v21;
	v15 =	vor.u32 s23, v21;
	v17 =	vor.u32 s24, v21  }
0xe: {  	p0 =	seq.s32 s10, $0x1;
	s31 =	sshrl.u32 s16, $0x1;
	s7 =	sadd.s32 $0x2CC00, s11;
	v18 =	vor.u32 s25, v21;
	v1 =	vmin.u32 v1, $0x13FF;
	v2 =	vmin.u32 v2, $0x13FF  }
0xf: {  	s13 =	sadd.s32 s8, s13;
	s8 =	sadd.s32 $0x7BE00, s11;
	s17 =	sadd.s32 $0x100, s9;
	v3 =	vmin.u32 v3, $0x13FF;
	v4 =	vmin.u32 v4, $0x13FF;
	v5 =	vmin.u32 v5, $0x13FF  }
0x10: {  	s26 =	smul.u32 $0x4F000, s1;
	s18 =	sadd.s32 $0x130, s9;
	s19 =	sadd.s32 $0x140, s9;
	v6 =	vmin.u32 v6, $0x13FF;
	v7 =	vmin.u32 v7, $0x13FF;
	v8 =	vmin.u32 v8, $0x13FF  }
0x11: {  	s20 =	sadd.s32 $0x150, s9;
	s28 =	sadd.s32 $0x160, s9;
	s30 =	sshll.u32 s1, $0x6;
	v9 =	vmin.u32 v9, $0x13FF;
	v10 =	vmin.u32 v10, $0x13FF;
	v11 =	vmin.u32 v11, $0x13FF  }
0x12: {  	s14 =	simm.s32 $0x80;
	s15 =	simm.s32 $0x200;
	s11 =	sadd.s32 s13, s11;
	v12 =	vmin.u32 v12, $0x13FF;
	v13 =	vmin.u32 v13, $0x13FF;
	v14 =	vmin.u32 v14, $0x13FF  }
.Ltmp0:
0x13: {  	s13 =	ssub.s32 s16, s31;
	v16 =	vor.u32 s17, v21;
	v15 =	vmin.u32 v15, $0x13FF;
	v17 =	vmin.u32 v17, $0x13FF;
	s31 =	sadd.s32 $0x170, s9;
	(pc) =	sbr.rel .LBB2_1-.Ltmp0, $4  }
0x14: {  	s9 =	sor.u32 $0x1C02, s30;
	v19 =	vor.u32 s18, v21;
	v20 =	vor.u32 s19, v21;
	v18 =	vmin.u32 v18, $0x13FF;
	s16 =	simm.s32 $0x1;
	s17 =	simm.s32 $0x4200  }
0x15: {  	v22 =	vor.u32 s20, v21;
	v23 =	vor.u32 s28, v21;
	s18 =	simm.s32 $0x8200;
	s19 =	simm.s32 $0x100;
	s29 =	sshrl.u32 s26, $0x2;
	v16 =	vmin.u32 v16, $0x13FF  }
0x16: {  	s20 =	simm.s32 $0x0;
	s10 =	sadd.s32 $0x7E600, s11;
	v19 =	vmin.u32 v19, $0x13FF;
	v20 =	vmin.u32 v20, $0x13FF;
	v24 =	vor.u32 s31, v21;
	s12 =	sadd.s32 s29, s2  }
0x17: {  	s11 =	smax.u32 s13, $0x1;
	s13 =	simm.s32 $0x2;
	v21 =	vmin.u32 v22, $0x13FF;
	v22 =	vmin.u32 v23, $0x13FF;
	v23 =	vmin.u32 v24, $0x13FF;
	s12 =	sshrl.u32 s12, $0x3  }
.LBB2_15:
0x18: {  	s22 =	sadd.s32 $0x200, s21;
	[sflag:s13] =	ssyncadd.s32 $0xFFFFC000  }
0x19: {  	[tilespmem:s18], [sflag:$0x1] =	stream.indirect.gather [hbm4b:s5+s14], $0x80, s22, s14, $0xb8;
	[tilespmem:$0x1FE00] =	vst v63  }
0x1a: {  	_ =	swait.ge [sflag:s16], $0x4000  }
0x1b: {  	[sflag:s16] =	ssyncset.done $0x0  }
0x1c: {  	s31 =	sadd.s32 $0x4200, s21;
	[sflag:s16] =	ssyncadd.s32 $0xFFFFC000  }
0x1d: {  	[spmem:s2] =	stream.indirect.scatter.add.f32 [tilespmem:s18], [sflag:$0x2], $0x80, s31, s14, $0xb8;
	[tilespmem:$0x1FE00] =	vst v63  }
0x1e: {  	_ =	swait.ge [sflag:s13], $0x4000  }
0x1f: {  	[sflag:s13] =	ssyncset.done $0x0  }
0x20: {  	[sflag:s13] =	ssyncadd.s32 $0xFFFFC000  }
.LBB2_16:
0x21: {  	s20 =	sadd.s32 $0x1, s20  }
0x22: {  	p1 =	sne.s32 s20, s11  }
.Ltmp1:
0x23: {  	[bflag:$0x0] =	sbarrier.arrive $0xFFFF;
	(pc) =	sbr.rel @!p1 .LBB2_17-.Ltmp1, $4  }
0x24: {  	[hbm:s10], [sflag:s9] =	dma.local [spmem:s12], $0x2780  }
0x25: {  	_ =	swait.ge [sflag:s13], $0x2780  }
0x26: {  	[sflag:s13] =	ssyncset.done $0x0  }
0x27: {  	[sflag:s13] =	ssyncadd.s32 $0xFFFFD880  }
.LBB2_1:
0x28: {  	[tilespmem:$0x0] =	vst v0  }
0x29: {  	[tilespmem:$0x10] =	vst v1  }
0x2a: {  	[tilespmem:$0x20] =	vst v2  }
0x2b: {  	[tilespmem:$0x30] =	vst v3  }
0x2c: {  	[tilespmem:$0x40] =	vst v4  }
0x2d: {  	[tilespmem:$0x50] =	vst v5  }
0x2e: {  	[tilespmem:$0x60] =	vst v6  }
0x2f: {  	[tilespmem:$0x70] =	vst v7  }
0x30: {  	[tilespmem:$0x80] =	vst v8  }
0x31: {  	[tilespmem:$0x90] =	vst v9  }
0x32: {  	[tilespmem:$0xA0] =	vst v10  }
0x33: {  	[tilespmem:$0xB0] =	vst v11  }
0x34: {  	[tilespmem:$0xC0] =	vst v12  }
0x35: {  	[tilespmem:$0xD0] =	vst v13  }
0x36: {  	[tilespmem:$0xE0] =	vst v14  }
0x37: {  	[tilespmem:$0xF0] =	vst v15  }
0x38: {  	[tilespmem:$0x100] =	vst v16  }
0x39: {  	[tilespmem:$0x110] =	vst v17  }
0x3a: {  	[tilespmem:$0x120] =	vst v18  }
0x3b: {  	[tilespmem:$0x130] =	vst v19  }
0x3c: {  	[tilespmem:$0x140] =	vst v20  }
0x3d: {  	[tilespmem:$0x150] =	vst v21  }
0x3e: {  	[tilespmem:$0x160] =	vst v22  }
0x3f: {  	[tilespmem:$0x170] =	vst v23  }
0x40: {  	[spmem:s12], [sflag:s9] =	dma.local [hbm:s8], $0x2780  }
0x41: {  	_ =	swait.ge [sflag:s13], $0x2780  }
0x42: {  	[sflag:s13] =	ssyncset.done $0x0  }
0x43: {  	[sflag:s13] =	ssyncadd.s32 $0xFFFFD880  }
0x44: {  	[bflag:$0x0] =	sbarrier.arrive $0xFFFF  }
0x45: {  	[tilespmem:s15], [sflag:$0x1] =	stream.indirect.gather [hbm4b:s6+s14], $0x80, s3, s14, $0xb8;
	[tilespmem:$0x1FE00] =	vst v63  }
0x46: {  	_ =	swait.ge [sflag:s16], $0x4000  }
0x47: {  	[sflag:s16] =	ssyncset.done $0x0  }
.Ltmp2:
0x48: {  	[sflag:s16] =	ssyncadd.s32 $0xFFFFC000;
	(pc) =	sbr.rel @!p0 .LBB2_2-.Ltmp2, $4  }
0x49: {  	[tilespmem:s17], [sflag:$0x1] =	stream.indirect.gather [hbm4b:s7+s14], $0x80, s3, s14, $0xb8;
	[tilespmem:$0x1FE00] =	vst v63  }
0x4a: {  	_ =	swait.ge [sflag:s16], $0x4000  }
0x4b: {  	[sflag:s16] =	ssyncset.done $0x0  }
0x4c: {  	s21 =	simm.s32 $0x200;
	[sflag:s16] =	ssyncadd.s32 $0xFFFFC000  }
0x4d: {  	[tilespmem:s18], [sflag:$0x1] =	stream.indirect.gather [hbm4b:s5+s14], $0x80, s21, s14, $0xb8;
	[tilespmem:$0x1FE00] =	vst v63  }
0x4e: {  	_ =	swait.ge [sflag:s16], $0x4000  }
0x4f: {  	[sflag:s16] =	ssyncset.done $0x0  }
0x50: {  	s31 =	simm.s32 $0x4200;
	[sflag:s16] =	ssyncadd.s32 $0xFFFFC000  }
0x51: {  	[spmem:s2] =	stream.indirect.scatter.add.f32 [tilespmem:s18], [sflag:$0x2], $0x80, s31, s14, $0xb8;
	[tilespmem:$0x1FE00] =	vst v63  }
0x52: {  	_ =	swait.ge [sflag:s13], $0x4000  }
0x53: {  	s22 =	simm.s32 $0x400;
	s21 =	simm.s32 $0x80;
	[sflag:s13] =	ssyncset.done $0x0  }
.LBB2_10:
0x54: {  	s23 =	sadd.s32 $0x200, s21  }
0x55: {  	[sflag:s13] =	ssyncadd.s32 $0xFFFFC000;
	s24 =	smov.u32 s22;
	s25 =	sadd.s32 $0x200, s22  }
0x56: {  	[tilespmem:s18], [sflag:$0x1] =	stream.indirect.gather [hbm4b:s5+s14], $0x80, s23, s14, $0xb8;
	[tilespmem:$0x1FE00] =	vst v63  }
0x57: {  	p1 =	sne.s32 s22, $0xFE00;
	_ =	swait.ge [sflag:s16], $0x4000  }
.Ltmp3:
0x58: {  	[sflag:s16] =	ssyncset.done $0x0;
	(pc) =	sbr.rel @p1 .LBB2_10-.Ltmp3, $4  }
0x59: {  	s21 =	sadd.s32 $0x4200, s21;
	[sflag:s16] =	ssyncadd.s32 $0xFFFFC000  }
0x5a: {  	[spmem:s2] =	stream.indirect.scatter.add.f32 [tilespmem:s18], [sflag:$0x2], $0x80, s21, s14, $0xb8;
	[tilespmem:$0x1FE00] =	vst v63  }
0x5b: {  	_ =	swait.ge [sflag:s13], $0x4000  }
0x5c: {  	s22 =	smov.u32 s25;
	s21 =	sshra.s32 s24, $0x2;
	[sflag:s13] =	ssyncset.done $0x0  }
0x5d: {  	s22 =	sadd.s32 $0x200, s21;
	[sflag:s13] =	ssyncadd.s32 $0xFFFFC000  }
0x5e: {  	[tilespmem:s18], [sflag:$0x1] =	stream.indirect.gather [hbm4b:s5+s14], $0x80, s22, s14, $0xb8;
	[tilespmem:$0x1FE00] =	vst v63  }
0x5f: {  	_ =	swait.ge [sflag:s16], $0x4000  }
0x60: {  	[sflag:s16] =	ssyncset.done $0x0  }
0x61: {  	s29 =	sadd.s32 $0x4200, s21;
	[sflag:s16] =	ssyncadd.s32 $0xFFFFC000  }
0x62: {  	[spmem:s2] =	stream.indirect.scatter.add.f32 [tilespmem:s18], [sflag:$0x2], $0x80, s29, s14, $0xb8;
	[tilespmem:$0x1FE00] =	vst v63  }
0x63: {  	_ =	swait.ge [sflag:s13], $0x4000  }
0x64: {  	[sflag:s13] =	ssyncset.done $0x0  }
0x65: {  	[sflag:s13] =	ssyncadd.s32 $0xFFFFC000  }
0x66: {  	[tilespmem:s15], [sflag:$0x1] =	stream.indirect.gather [hbm4b:s6+s14], $0x80, s14, s14, $0xb8;
	[tilespmem:$0x1FE00] =	vst v63  }
0x67: {  	_ =	swait.ge [sflag:s16], $0x4000  }
0x68: {  	[sflag:s16] =	ssyncset.done $0x0  }
0x69: {  	[sflag:s16] =	ssyncadd.s32 $0xFFFFC000  }
0x6a: {  	[tilespmem:s17], [sflag:$0x1] =	stream.indirect.gather [hbm4b:s7+s14], $0x80, s14, s14, $0xb8;
	[tilespmem:$0x1FE00] =	vst v63  }
0x6b: {  	_ =	swait.ge [sflag:s16], $0x4000  }
0x6c: {  	[sflag:s16] =	ssyncset.done $0x0  }
0x6d: {  	s30 =	simm.s32 $0x200;
	[sflag:s16] =	ssyncadd.s32 $0xFFFFC000  }
0x6e: {  	[tilespmem:s18], [sflag:$0x1] =	stream.indirect.gather [hbm4b:s5+s14], $0x80, s30, s14, $0xb8;
	[tilespmem:$0x1FE00] =	vst v63  }
0x6f: {  	_ =	swait.ge [sflag:s16], $0x4000  }
0x70: {  	[sflag:s16] =	ssyncset.done $0x0  }
0x71: {  	s31 =	simm.s32 $0x4200;
	[sflag:s16] =	ssyncadd.s32 $0xFFFFC000  }
0x72: {  	[spmem:s2] =	stream.indirect.scatter.add.f32 [tilespmem:s18], [sflag:$0x2], $0x80, s31, s14, $0xb8;
	[tilespmem:$0x1FE00] =	vst v63  }
0x73: {  	_ =	swait.ge [sflag:s13], $0x4000  }
0x74: {  	s21 =	simm.s32 $0x80;
	s22 =	simm.s32 $0x400;
	[sflag:s13] =	ssyncset.done $0x0  }
.LBB2_12:
0x75: {  	s23 =	sadd.s32 $0x200, s21  }
0x76: {  	[sflag:s13] =	ssyncadd.s32 $0xFFFFC000;
	s24 =	smov.u32 s22;
	s25 =	sadd.s32 $0x200, s22  }
0x77: {  	[tilespmem:s18], [sflag:$0x1] =	stream.indirect.gather [hbm4b:s5+s14], $0x80, s23, s14, $0xb8;
	[tilespmem:$0x1FE00] =	vst v63  }
0x78: {  	p1 =	sne.s32 s22, $0xFE00;
	_ =	swait.ge [sflag:s16], $0x4000  }
.Ltmp4:
0x79: {  	[sflag:s16] =	ssyncset.done $0x0;
	(pc) =	sbr.rel @p1 .LBB2_12-.Ltmp4, $4  }
0x7a: {  	s21 =	sadd.s32 $0x4200, s21;
	[sflag:s16] =	ssyncadd.s32 $0xFFFFC000  }
0x7b: {  	[spmem:s2] =	stream.indirect.scatter.add.f32 [tilespmem:s18], [sflag:$0x2], $0x80, s21, s14, $0xb8;
	[tilespmem:$0x1FE00] =	vst v63  }
0x7c: {  	_ =	swait.ge [sflag:s13], $0x4000  }
0x7d: {  	s22 =	smov.u32 s25;
	s21 =	sshra.s32 s24, $0x2;
	[sflag:s13] =	ssyncset.done $0x0  }
0x7e: {  	s22 =	sadd.s32 $0x200, s21;
	[sflag:s13] =	ssyncadd.s32 $0xFFFFC000  }
0x7f: {  	[tilespmem:s18], [sflag:$0x1] =	stream.indirect.gather [hbm4b:s5+s14], $0x80, s22, s14, $0xb8;
	[tilespmem:$0x1FE00] =	vst v63  }
0x80: {  	_ =	swait.ge [sflag:s16], $0x4000  }
0x81: {  	[sflag:s16] =	ssyncset.done $0x0  }
0x82: {  	s29 =	sadd.s32 $0x4200, s21;
	[sflag:s16] =	ssyncadd.s32 $0xFFFFC000  }
0x83: {  	[spmem:s2] =	stream.indirect.scatter.add.f32 [tilespmem:s18], [sflag:$0x2], $0x80, s29, s14, $0xb8;
	[tilespmem:$0x1FE00] =	vst v63  }
0x84: {  	_ =	swait.ge [sflag:s13], $0x4000  }
0x85: {  	[sflag:s13] =	ssyncset.done $0x0  }
0x86: {  	[sflag:s13] =	ssyncadd.s32 $0xFFFFC000  }
0x87: {  	[tilespmem:s15], [sflag:$0x1] =	stream.indirect.gather [hbm4b:s6+s14], $0x80, s19, s14, $0xb8;
	[tilespmem:$0x1FE00] =	vst v63  }
0x88: {  	_ =	swait.ge [sflag:s16], $0x4000  }
0x89: {  	[sflag:s16] =	ssyncset.done $0x0  }
0x8a: {  	[sflag:s16] =	ssyncadd.s32 $0xFFFFC000  }
0x8b: {  	[tilespmem:s17], [sflag:$0x1] =	stream.indirect.gather [hbm4b:s7+s14], $0x80, s19, s14, $0xb8;
	[tilespmem:$0x1FE00] =	vst v63  }
0x8c: {  	_ =	swait.ge [sflag:s16], $0x4000  }
0x8d: {  	[sflag:s16] =	ssyncset.done $0x0  }
0x8e: {  	s30 =	simm.s32 $0x200;
	[sflag:s16] =	ssyncadd.s32 $0xFFFFC000  }
0x8f: {  	[tilespmem:s18], [sflag:$0x1] =	stream.indirect.gather [hbm4b:s5+s14], $0x80, s30, s14, $0xb8;
	[tilespmem:$0x1FE00] =	vst v63  }
0x90: {  	_ =	swait.ge [sflag:s16], $0x4000  }
0x91: {  	[sflag:s16] =	ssyncset.done $0x0  }
0x92: {  	s31 =	simm.s32 $0x4200;
	[sflag:s16] =	ssyncadd.s32 $0xFFFFC000  }
0x93: {  	[spmem:s2] =	stream.indirect.scatter.add.f32 [tilespmem:s18], [sflag:$0x2], $0x80, s31, s14, $0xb8;
	[tilespmem:$0x1FE00] =	vst v63  }
0x94: {  	_ =	swait.ge [sflag:s13], $0x4000  }
0x95: {  	s21 =	simm.s32 $0x80;
	s22 =	simm.s32 $0x400;
	[sflag:s13] =	ssyncset.done $0x0  }
.LBB2_14:
0x96: {  	s23 =	sadd.s32 $0x200, s21  }
0x97: {  	[sflag:s13] =	ssyncadd.s32 $0xFFFFC000;
	s24 =	smov.u32 s22;
	s25 =	sadd.s32 $0x200, s22  }
0x98: {  	[tilespmem:s18], [sflag:$0x1] =	stream.indirect.gather [hbm4b:s5+s14], $0x80, s23, s14, $0xb8;
	[tilespmem:$0x1FE00] =	vst v63  }
0x99: {  	p1 =	sne.s32 s22, $0x7E00;
	_ =	swait.ge [sflag:s16], $0x4000  }
.Ltmp5:
0x9a: {  	[sflag:s16] =	ssyncset.done $0x0;
	(pc) =	sbr.rel @p1 .LBB2_14-.Ltmp5, $4  }
0x9b: {  	s21 =	sadd.s32 $0x4200, s21;
	[sflag:s16] =	ssyncadd.s32 $0xFFFFC000  }
0x9c: {  	[spmem:s2] =	stream.indirect.scatter.add.f32 [tilespmem:s18], [sflag:$0x2], $0x80, s21, s14, $0xb8;
	[tilespmem:$0x1FE00] =	vst v63  }
0x9d: {  	_ =	swait.ge [sflag:s13], $0x4000  }
0x9e: {  	s22 =	smov.u32 s25;
	s21 =	sshra.s32 s24, $0x2;
	[sflag:s13] =	ssyncset.done $0x0  }
.Ltmp6:
0x9f: {  	_ = 	snop;
	(pc) =	sbr.rel .LBB2_15-.Ltmp6, $1  }
0xa0: {  	_ =	sdelay $0x3  }
.LBB2_2:
0xa1: {  	[tilespmem:s18], [sflag:$0x1] =	stream.indirect.gather [hbm4b:s4+s14], $0x80, s21, s14, $0xb8;
	[tilespmem:$0x1FE00] =	vst v63  }
0xa2: {  	_ =	swait.ge [sflag:s16], $0x4000  }
0xa3: {  	[sflag:s16] =	ssyncset.done $0x0  }
0xa4: {  	s31 =	simm.s32 $0x4200;
	[sflag:s16] =	ssyncadd.s32 $0xFFFFC000  }
0xa5: {  	[spmem:s2] =	stream.indirect.scatter.add.f32 [tilespmem:s18], [sflag:$0x2], $0x80, s31, s14, $0xb8;
	[tilespmem:$0x1FE00] =	vst v63  }
0xa6: {  	_ =	swait.ge [sflag:s13], $0x4000  }
0xa7: {  	s22 =	simm.s32 $0x400;
	s21 =	simm.s32 $0x80;
	[sflag:s13] =	ssyncset.done $0x0  }
.LBB2_3:
0xa8: {  	s23 =	sadd.s32 $0x200, s21  }
0xa9: {  	[sflag:s13] =	ssyncadd.s32 $0xFFFFC000;
	s24 =	smov.u32 s22;
	s25 =	sadd.s32 $0x200, s22  }
0xaa: {  	[tilespmem:s18], [sflag:$0x1] =	stream.indirect.gather [hbm4b:s4+s14], $0x80, s23, s14, $0xb8;
	[tilespmem:$0x1FE00] =	vst v63  }
0xab: {  	p1 =	sne.s32 s22, $0xFE00;
	_ =	swait.ge [sflag:s16], $0x4000  }
.Ltmp7:
0xac: {  	[sflag:s16] =	ssyncset.done $0x0;
	(pc) =	sbr.rel @p1 .LBB2_3-.Ltmp7, $4  }
0xad: {  	s21 =	sadd.s32 $0x4200, s21;
	[sflag:s16] =	ssyncadd.s32 $0xFFFFC000  }
0xae: {  	[spmem:s2] =	stream.indirect.scatter.add.f32 [tilespmem:s18], [sflag:$0x2], $0x80, s21, s14, $0xb8;
	[tilespmem:$0x1FE00] =	vst v63  }
0xaf: {  	_ =	swait.ge [sflag:s13], $0x4000  }
0xb0: {  	s22 =	smov.u32 s25;
	s21 =	sshra.s32 s24, $0x2;
	[sflag:s13] =	ssyncset.done $0x0  }
0xb1: {  	s22 =	sadd.s32 $0x200, s21;
	[sflag:s13] =	ssyncadd.s32 $0xFFFFC000  }
0xb2: {  	[tilespmem:s18], [sflag:$0x1] =	stream.indirect.gather [hbm4b:s4+s14], $0x80, s22, s14, $0xb8;
	[tilespmem:$0x1FE00] =	vst v63  }
0xb3: {  	_ =	swait.ge [sflag:s16], $0x4000  }
0xb4: {  	[sflag:s16] =	ssyncset.done $0x0  }
0xb5: {  	s29 =	sadd.s32 $0x4200, s21;
	[sflag:s16] =	ssyncadd.s32 $0xFFFFC000  }
0xb6: {  	[spmem:s2] =	stream.indirect.scatter.add.f32 [tilespmem:s18], [sflag:$0x2], $0x80, s29, s14, $0xb8;
	[tilespmem:$0x1FE00] =	vst v63  }
0xb7: {  	_ =	swait.ge [sflag:s13], $0x4000  }
0xb8: {  	[sflag:s13] =	ssyncset.done $0x0  }
0xb9: {  	[sflag:s13] =	ssyncadd.s32 $0xFFFFC000  }
0xba: {  	[tilespmem:s15], [sflag:$0x1] =	stream.indirect.gather [hbm4b:s6+s14], $0x80, s14, s14, $0xb8;
	[tilespmem:$0x1FE00] =	vst v63  }
0xbb: {  	_ =	swait.ge [sflag:s16], $0x4000  }
0xbc: {  	[sflag:s16] =	ssyncset.done $0x0  }
0xbd: {  	[sflag:s16] =	ssyncadd.s32 $0xFFFFC000  }
0xbe: {  	[tilespmem:s17], [sflag:$0x1] =	stream.indirect.gather [hbm4b:s7+s14], $0x80, s14, s14, $0xb8;
	[tilespmem:$0x1FE00] =	vst v63  }
0xbf: {  	_ =	swait.ge [sflag:s16], $0x4000  }
0xc0: {  	[sflag:s16] =	ssyncset.done $0x0  }
0xc1: {  	s30 =	simm.s32 $0x200;
	[sflag:s16] =	ssyncadd.s32 $0xFFFFC000  }
0xc2: {  	[tilespmem:s18], [sflag:$0x1] =	stream.indirect.gather [hbm4b:s4+s14], $0x80, s30, s14, $0xb8;
	[tilespmem:$0x1FE00] =	vst v63  }
0xc3: {  	_ =	swait.ge [sflag:s16], $0x4000  }
0xc4: {  	[sflag:s16] =	ssyncset.done $0x0  }
0xc5: {  	s31 =	simm.s32 $0x4200;
	[sflag:s16] =	ssyncadd.s32 $0xFFFFC000  }
0xc6: {  	[spmem:s2] =	stream.indirect.scatter.add.f32 [tilespmem:s18], [sflag:$0x2], $0x80, s31, s14, $0xb8;
	[tilespmem:$0x1FE00] =	vst v63  }
0xc7: {  	_ =	swait.ge [sflag:s13], $0x4000  }
0xc8: {  	s21 =	simm.s32 $0x80;
	s22 =	simm.s32 $0x400;
	[sflag:s13] =	ssyncset.done $0x0  }
.LBB2_5:
0xc9: {  	s23 =	sadd.s32 $0x200, s21  }
0xca: {  	[sflag:s13] =	ssyncadd.s32 $0xFFFFC000;
	s24 =	smov.u32 s22;
	s25 =	sadd.s32 $0x200, s22  }
0xcb: {  	[tilespmem:s18], [sflag:$0x1] =	stream.indirect.gather [hbm4b:s4+s14], $0x80, s23, s14, $0xb8;
	[tilespmem:$0x1FE00] =	vst v63  }
0xcc: {  	p1 =	sne.s32 s22, $0xFE00;
	_ =	swait.ge [sflag:s16], $0x4000  }
.Ltmp8:
0xcd: {  	[sflag:s16] =	ssyncset.done $0x0;
	(pc) =	sbr.rel @p1 .LBB2_5-.Ltmp8, $4  }
0xce: {  	s21 =	sadd.s32 $0x4200, s21;
	[sflag:s16] =	ssyncadd.s32 $0xFFFFC000  }
0xcf: {  	[spmem:s2] =	stream.indirect.scatter.add.f32 [tilespmem:s18], [sflag:$0x2], $0x80, s21, s14, $0xb8;
	[tilespmem:$0x1FE00] =	vst v63  }
0xd0: {  	_ =	swait.ge [sflag:s13], $0x4000  }
0xd1: {  	s22 =	smov.u32 s25;
	s21 =	sshra.s32 s24, $0x2;
	[sflag:s13] =	ssyncset.done $0x0  }
0xd2: {  	s22 =	sadd.s32 $0x200, s21;
	[sflag:s13] =	ssyncadd.s32 $0xFFFFC000  }
0xd3: {  	[tilespmem:s18], [sflag:$0x1] =	stream.indirect.gather [hbm4b:s4+s14], $0x80, s22, s14, $0xb8;
	[tilespmem:$0x1FE00] =	vst v63  }
0xd4: {  	_ =	swait.ge [sflag:s16], $0x4000  }
0xd5: {  	[sflag:s16] =	ssyncset.done $0x0  }
0xd6: {  	s29 =	sadd.s32 $0x4200, s21;
	[sflag:s16] =	ssyncadd.s32 $0xFFFFC000  }
0xd7: {  	[spmem:s2] =	stream.indirect.scatter.add.f32 [tilespmem:s18], [sflag:$0x2], $0x80, s29, s14, $0xb8;
	[tilespmem:$0x1FE00] =	vst v63  }
0xd8: {  	_ =	swait.ge [sflag:s13], $0x4000  }
0xd9: {  	[sflag:s13] =	ssyncset.done $0x0  }
0xda: {  	[sflag:s13] =	ssyncadd.s32 $0xFFFFC000  }
0xdb: {  	[tilespmem:s15], [sflag:$0x1] =	stream.indirect.gather [hbm4b:s6+s14], $0x80, s19, s14, $0xb8;
	[tilespmem:$0x1FE00] =	vst v63  }
0xdc: {  	_ =	swait.ge [sflag:s16], $0x4000  }
0xdd: {  	[sflag:s16] =	ssyncset.done $0x0  }
0xde: {  	[sflag:s16] =	ssyncadd.s32 $0xFFFFC000  }
0xdf: {  	[tilespmem:s17], [sflag:$0x1] =	stream.indirect.gather [hbm4b:s7+s14], $0x80, s19, s14, $0xb8;
	[tilespmem:$0x1FE00] =	vst v63  }
0xe0: {  	_ =	swait.ge [sflag:s16], $0x4000  }
0xe1: {  	[sflag:s16] =	ssyncset.done $0x0  }
0xe2: {  	s30 =	simm.s32 $0x200;
	[sflag:s16] =	ssyncadd.s32 $0xFFFFC000  }
0xe3: {  	[tilespmem:s18], [sflag:$0x1] =	stream.indirect.gather [hbm4b:s4+s14], $0x80, s30, s14, $0xb8;
	[tilespmem:$0x1FE00] =	vst v63  }
0xe4: {  	_ =	swait.ge [sflag:s16], $0x4000  }
0xe5: {  	[sflag:s16] =	ssyncset.done $0x0  }
0xe6: {  	s31 =	simm.s32 $0x4200;
	[sflag:s16] =	ssyncadd.s32 $0xFFFFC000  }
0xe7: {  	[spmem:s2] =	stream.indirect.scatter.add.f32 [tilespmem:s18], [sflag:$0x2], $0x80, s31, s14, $0xb8;
	[tilespmem:$0x1FE00] =	vst v63  }
0xe8: {  	_ =	swait.ge [sflag:s13], $0x4000  }
0xe9: {  	s21 =	simm.s32 $0x80;
	s22 =	simm.s32 $0x400;
	[sflag:s13] =	ssyncset.done $0x0  }
.LBB2_7:
0xea: {  	s23 =	sadd.s32 $0x200, s21  }
0xeb: {  	[sflag:s13] =	ssyncadd.s32 $0xFFFFC000;
	s24 =	smov.u32 s22;
	s25 =	sadd.s32 $0x200, s22  }
0xec: {  	[tilespmem:s18], [sflag:$0x1] =	stream.indirect.gather [hbm4b:s4+s14], $0x80, s23, s14, $0xb8;
	[tilespmem:$0x1FE00] =	vst v63  }
0xed: {  	p1 =	seq.s32 s22, $0x7E00;
	_ =	swait.ge [sflag:s16], $0x4000  }
.Ltmp9:
0xee: {  	[sflag:s16] =	ssyncset.done $0x0;
	(pc) =	sbr.rel @!p1 .LBB2_7-.Ltmp9, $4  }
0xef: {  	s21 =	sadd.s32 $0x4200, s21;
	[sflag:s16] =	ssyncadd.s32 $0xFFFFC000  }
0xf0: {  	[spmem:s2] =	stream.indirect.scatter.add.f32 [tilespmem:s18], [sflag:$0x2], $0x80, s21, s14, $0xb8;
	[tilespmem:$0x1FE00] =	vst v63  }
0xf1: {  	_ =	swait.ge [sflag:s13], $0x4000  }
0xf2: {  	s22 =	smov.u32 s25;
	s21 =	sshra.s32 s24, $0x2;
	[sflag:s13] =	ssyncset.done $0x0  }
0xf3: {  	s22 =	sadd.s32 $0x200, s21;
	[sflag:s13] =	ssyncadd.s32 $0xFFFFC000  }
0xf4: {  	[tilespmem:s18], [sflag:$0x1] =	stream.indirect.gather [hbm4b:s4+s14], $0x80, s22, s14, $0xb8;
	[tilespmem:$0x1FE00] =	vst v63  }
0xf5: {  	_ =	swait.ge [sflag:s16], $0x4000  }
0xf6: {  	[sflag:s16] =	ssyncset.done $0x0  }
.Ltmp10:
0xf7: {  	s31 =	sadd.s32 $0x4200, s21;
	[sflag:s16] =	ssyncadd.s32 $0xFFFFC000;
	(pc) =	sbr.rel .LBB2_16-.Ltmp10, $4  }
0xf8: {  	[spmem:s2] =	stream.indirect.scatter.add.f32 [tilespmem:s18], [sflag:$0x2], $0x80, s31, s14, $0xb8;
	[tilespmem:$0x1FE00] =	vst v63  }
0xf9: {  	_ =	swait.ge [sflag:s13], $0x4000  }
0xfa: {  	[sflag:s13] =	ssyncset.done $0x0  }
0xfb: {  	[sflag:s13] =	ssyncadd.s32 $0xFFFFC000  }
.LBB2_17:
0xfc: {  	_ =	sfence.sel $0x180000  }
0xfd: {  	[bflag:$0x0] =	sbarrier.arrive $0xFFFF  }
0xfe: {  	p0 =	sne.s32 s1, $0x0;
	_ =	strace $0x90000047  }
0xff: {  	s0 =	sadd.s32 @!p0 $0x100000, s0;
	[bflag:$0x2] =	sbarrier.arrive $0xFFFF  }
0x100: {  	[sflag:s0] =	ssyncadd.tile.s32 @!p0 $0x1;
	_ =	shalt  }
.Lfunc_end2:
_tile_overlayer_lowered:
.L_overlay_start_2:
0x101: {  	(tag) =	ssettag $0x2  }
0x102: {  	s0 =	rddreg [dreg:$0x0];
	s2 =	stileid.u32  }
0x103: {  	s1 =	rddreg [dreg:$0x1];
	p0 =	sne.s32 s2, $0x0  }
0x104: {  	s3 =	rddreg [dreg:$0x2];
	[bflag:$0x3] =	sbarrier.arrive $0xFFFF;
	s2 =	simm.s32 @!p0 $0x1C02  }
0x105: {  	[timem:s3], [sflag:s2] =	dma.local @!p0 [hbm:s0], s1  }
0x106: {  	s0 =	simm.s32 @!p0 $0x2  }
0x107: {  	_ =	swait.ge @!p0 [sflag:s0], s1  }
0x108: {  	s1 =	ssub.s32 @!p0 $0x0, s1;
	[sflag:s0] =	ssyncset.done @!p0 $0x0  }
0x109: {  	[sflag:s0] =	ssyncadd.s32 @!p0 s1  }
0x10a: {  	[bflag:$0x3] =	sbarrier.arrive $0xFFFF  }
0x10b: {  	_ =	shalt  }

</sc_bundles>
